<compile_context>
chip_gen: v7x
topology: tpu7x:2x2x1
jax: 0.10.2.dev20260603
libtpu: 0.0.44.dev20260713+nightly
codegen_flags: <defaults>
</compile_context>

<pallas_src>
import functools

import jax
import jax.numpy as jnp
from jax import lax
from jax.experimental import pallas as pl
from jax.experimental.pallas import tpu as pltpu
from jax.experimental.pallas import tpu_sc as plsc

B = 4096
HL = 200
D = 128
C = 128

NC = 2
NS = 16
NW = NC * NS
BPW = B // NW
LANES = 16
DV = D // LANES

_mesh = plsc.VectorSubcoreMesh(core_axis_name="c", subcore_axis_name="s")


@functools.partial(
    pl.kernel,
    out_type=jax.ShapeDtypeStruct((B, D), jnp.float32),
    mesh=_mesh,
    scratch_types=[
        pltpu.VMEM((BPW * HL,), jnp.int32),
        pltpu.VMEM((2, HL, D), jnp.float32),
        pltpu.VMEM((BPW, D), jnp.float32),
        pltpu.SemaphoreType.DMA,
        pltpu.SemaphoreType.DMA,
    ],
)
def _pool_sums(x_hbm, tab_hbm, out_hbm, idx_v, rows_v, out_v, sem0, sem1):
    wid = lax.axis_index("s") * NC + lax.axis_index("c")
    base = wid * BPW
    sems = (sem0, sem1)

    pltpu.sync_copy(x_hbm.at[pl.ds(base * HL, BPW * HL)], idx_v)

    def issue(b, par):
        off = b * HL
        sem = sems[par]
        pltpu.async_copy(
            tab_hbm.at[idx_v.at[pl.ds(off, 128)]],
            rows_v.at[par, pl.ds(0, 128)],
            sem,
        )
        pltpu.async_copy(
            tab_hbm.at[idx_v.at[pl.ds(off + 128, HL - 128)]],
            rows_v.at[par, pl.ds(128, HL - 128)],
            sem,
        )

    def wait(par):
        pltpu.make_async_copy(
            tab_hbm.at[pl.ds(0, HL)], rows_v.at[par], sems[par]
        ).wait()

    issue(0, 0)

    def outer(i, _):
        for par in range(2):
            b = i * 2 + par

            @pl.when(b + 1 < BPW)
            def _():
                issue(b + 1, 1 - par)

            wait(par)

            def jbody(j, accs):
                return tuple(
                    accs[d] + rows_v[par, j, pl.ds(d * LANES, LANES)]
                    for d in range(DV)
                )

            accs = lax.fori_loop(
                0, HL, jbody,
                tuple(jnp.zeros((LANES,), jnp.float32) for _ in range(DV)),
                unroll=4,
            )
            for d in range(DV):
                out_v[b, pl.ds(d * LANES, LANES)] = accs[d]
        return 0

    lax.fori_loop(0, BPW // 2, outer, 0)
    pltpu.sync_copy(out_v, out_hbm.at[pl.ds(base, BPW)])


def _fc_softmax_body(s_ref, w_ref, b_ref, o_ref):
    logits = lax.dot_general(
        s_ref[...], w_ref[...],
        (((1,), (1,)), ((), ())),
        preferred_element_type=jnp.float32,
    ) * (1.0 / HL) + b_ref[...]
    m = jnp.max(logits, axis=1, keepdims=True)
    e = jnp.exp(logits - m)
    o_ref[...] = e / jnp.sum(e, axis=1, keepdims=True)


def _fc_softmax(sums, fc_w, fc_b2d):
    blk = 2048
    return pl.pallas_call(
        _fc_softmax_body,
        grid=(B // blk,),
        in_specs=[
            pl.BlockSpec((blk, D), lambda i: (i, 0)),
            pl.BlockSpec((C, D), lambda i: (0, 0)),
            pl.BlockSpec((1, C), lambda i: (0, 0)),
        ],
        out_specs=pl.BlockSpec((blk, C), lambda i: (i, 0)),
        out_shape=jax.ShapeDtypeStruct((B, C), jnp.float32),
    )(sums, fc_w, fc_b2d)


def kernel(x, emb_table, fc_w, fc_b):
    x_flat = jnp.asarray(x, jnp.int32).reshape(-1)
    sums = _pool_sums(x_flat, emb_table)
    return _fc_softmax(sums, fc_w, fc_b.reshape(1, C))

# --- scband reference (transcript-rebuilt; emitter-appended) ---
"""Pipeline reference for scband-fasttext-70806830842560 (READ-ONLY COPY).

The authoritative reference and input builder live on the scoring server;
editing this copy changes nothing except your own understanding.
"""

import jax, jax.numpy as jnp
import numpy as np

VOCAB = 100000
EMBED_DIM = 128
CLASS_NUMS = 128
BATCH = 4096
HIST_LEN = 200


def setup_inputs(seed: int = 0) -> dict:
    key = jax.random.key(seed)
    k_idx, k_emb, k_w, k_b = jax.random.split(key, 4)
    x = jax.random.randint(k_idx, (BATCH, HIST_LEN), 0, VOCAB, dtype=jnp.int64)
    emb_table = jax.random.normal(k_emb, (VOCAB, EMBED_DIM), dtype=jnp.float32)
    fc_w = jax.random.normal(k_w, (CLASS_NUMS, EMBED_DIM), dtype=jnp.float32) * (1.0 / np.sqrt(EMBED_DIM))
    fc_b = jax.random.normal(k_b, (CLASS_NUMS,), dtype=jnp.float32) * 0.01
    return {"x": x, "emb_table": emb_table, "fc_w": fc_w, "fc_b": fc_b}


def reference(x, emb_table, fc_w, fc_b):
    # nn.Embedding lookup -> [B, L, D]
    embed = jnp.take(emb_table, x, axis=0)
    # AdaptiveAvgPool2d((1, EMBED_DIM)) on [B, L, D]: pool L -> 1, D stays D; then squeeze dim=1
    avg_embed = jnp.mean(embed, axis=1)  # [B, D]
    # Linear
    output = avg_embed @ fc_w.T + fc_b  # [B, class_nums]
    # softmax over dim=1
    output = jax.nn.softmax(output, axis=1)
    return output

if __name__ == "__main__":
    import jax
    _d = setup_inputs()
    print(jax.jit(kernel)(*tuple(_d.values())))

</pallas_src>

<mosaic_0001>
#map = affine_map<(d0, d1) -> (0)>
#map1 = affine_map<(d0, d1) -> (0, 0)>
module attributes {stable_mosaic.version = 14 : i64} {
  func.func @_pool_sums(%arg0: i32, %arg1: i32, %arg2: memref<819200xi32, #tpu.memory_space<hbm>>, %arg3: memref<100000x128xf32, #tpu.memory_space<hbm>>, %arg4: memref<4096x128xf32, #tpu.memory_space<hbm>>, %arg5: memref<25600xi32, #tpu.memory_space<vmem>>, %arg6: memref<2x200x128xf32, #tpu.memory_space<vmem>>, %arg7: memref<128x128xf32, #tpu.memory_space<vmem>>, %arg8: memref<!tpu.dma_semaphore, #tpu.memory_space<semaphore_mem>>, %arg9: memref<!tpu.dma_semaphore, #tpu.memory_space<semaphore_mem>>) attributes {dimension_semantics = [#tpu.dimension_semantics<core_parallel>, #tpu.dimension_semantics<subcore_parallel>], iteration_bounds = array<i64: 2, 16>, scalar_prefetch = 0 : i64, scratch_operands = 5 : i64, tpu.core_type = #tpu.core_type<sc_vector_subcore>, window_params = [{transform_indices = #map}, {transform_indices = #map1}, {transform_indices = #map1}]} {
    %mul3A = arith.constant 2 : i32
    %mul3A_0 = arith.muli %arg1, %mul3A : i32
    %add3A = arith.addi %mul3A_0, %arg0 : i32
    %mul3A_1 = arith.constant 128 : i32
    %mul3A_2 = arith.muli %add3A, %mul3A_1 : i32
    %mul3A_3 = arith.constant 200 : i32
    %mul3A_4 = arith.muli %mul3A_2, %mul3A_3 : i32
    "tpu.region"() ({
      %run_scoped3A = tpu.sem_alloc : memref<!tpu.dma_semaphore, #tpu.memory_space<semaphore_mem>>
      %dma_start3A_30 = tpu.memref_slice %arg2[%mul3A_4] : memref<819200xi32, #tpu.memory_space<hbm>> -> memref<25600xi32, #tpu.memory_space<hbm>>
      %dma_start3A_31 = tpu.memref_slice %arg2[%mul3A_4] : memref<819200xi32, #tpu.memory_space<hbm>> -> memref<25600xi32, #tpu.memory_space<hbm>>
      tpu.enqueue_dma source(%dma_start3A_31 : memref<25600xi32, #tpu.memory_space<hbm>>) target(%arg5 : memref<25600xi32, #tpu.memory_space<vmem>>) target_semaphore(%run_scoped3A : memref<!tpu.dma_semaphore, #tpu.memory_space<semaphore_mem>>)
      %dma_wait3A = tpu.memref_slice %arg2[%mul3A_4] : memref<819200xi32, #tpu.memory_space<hbm>> -> memref<25600xi32, #tpu.memory_space<hbm>>
      %dma_wait3A_32 = tpu.memref_slice %arg2[%mul3A_4] : memref<819200xi32, #tpu.memory_space<hbm>> -> memref<25600xi32, #tpu.memory_space<hbm>>
      tpu.wait_dma2 semaphore(%run_scoped3A : memref<!tpu.dma_semaphore, #tpu.memory_space<semaphore_mem>>) src(%dma_wait3A_32 : memref<25600xi32, #tpu.memory_space<hbm>>) dst(%arg5 : memref<25600xi32, #tpu.memory_space<vmem>>)
      tpu.yield
    }) : () -> ()
    %dma_start3A = arith.constant 0 : i32
    %dma_start3A_5 = arith.constant 0 : i32
    %dma_start3A_6 = arith.constant 0 : i32
    %dma_start3A_7 = tpu.memref_slice %arg6[%dma_start3A, %dma_start3A_5, %dma_start3A_6] : memref<2x200x128xf32, #tpu.memory_space<vmem>> -> memref<1x128x128xf32, #tpu.memory_space<vmem>>
    %dma_start3A_8 = tpu.memref_squeeze %dma_start3A_7 : memref<1x128x128xf32, #tpu.memory_space<vmem>> -> memref<128x128xf32, #tpu.memory_space<vmem>>
    %dma_start3A_9 = arith.constant 0 : i32
    %dma_start3A_10 = tpu.memref_slice %arg5[%dma_start3A_9] : memref<25600xi32, #tpu.memory_space<vmem>> -> memref<128xi32, #tpu.memory_space<vmem>>
    %dma_start3A_11 = arith.constant 0 : i32
    %dma_start3A_12 = arith.constant 0 : i32
    %dma_start3A_13 = tpu.memref_slice %arg3[%dma_start3A_11, %dma_start3A_12] : memref<100000x128xf32, #tpu.memory_space<hbm>> -> memref<100000x128xf32, #tpu.memory_space<hbm>>
    tpu.enqueue_indirect_dma source(%dma_start3A_13 : memref<100000x128xf32, #tpu.memory_space<hbm>>) target(%dma_start3A_8 : memref<128x128xf32, #tpu.memory_space<vmem>>) offsets(%dma_start3A_10 : memref<128xi32, #tpu.memory_space<vmem>>) semaphore(%arg8 : memref<!tpu.dma_semaphore, #tpu.memory_space<semaphore_mem>>)
    %dma_start3A_14 = arith.constant 0 : i32
    %dma_start3A_15 = arith.constant 128 : i32
    %dma_start3A_16 = arith.constant 0 : i32
    %dma_start3A_17 = tpu.memref_slice %arg6[%dma_start3A_14, %dma_start3A_15, %dma_start3A_16] : memref<2x200x128xf32, #tpu.memory_space<vmem>> -> memref<1x72x128xf32, #tpu.memory_space<vmem>>
    %dma_start3A_18 = tpu.memref_squeeze %dma_start3A_17 : memref<1x72x128xf32, #tpu.memory_space<vmem>> -> memref<72x128xf32, #tpu.memory_space<vmem>>
    %dma_start3A_19 = arith.constant 128 : i32
    %dma_start3A_20 = tpu.memref_slice %arg5[%dma_start3A_19] : memref<25600xi32, #tpu.memory_space<vmem>> -> memref<72xi32, #tpu.memory_space<vmem>>
    %dma_start3A_21 = arith.constant 0 : i32
    %dma_start3A_22 = arith.constant 0 : i32
    %dma_start3A_23 = tpu.memref_slice %arg3[%dma_start3A_21, %dma_start3A_22] : memref<100000x128xf32, #tpu.memory_space<hbm>> -> memref<100000x128xf32, #tpu.memory_space<hbm>>
    tpu.enqueue_indirect_dma source(%dma_start3A_23 : memref<100000x128xf32, #tpu.memory_space<hbm>>) target(%dma_start3A_18 : memref<72x128xf32, #tpu.memory_space<vmem>>) offsets(%dma_start3A_20 : memref<72xi32, #tpu.memory_space<vmem>>) semaphore(%arg8 : memref<!tpu.dma_semaphore, #tpu.memory_space<semaphore_mem>>)
    %scan3A = arith.constant 0 : i32
    %scan3A_24 = arith.constant 0 : i32
    %scan3A_25 = arith.constant 64 : i32
    %scan3A_26 = arith.addi %scan3A_24, %scan3A_25 : i32
    %scan3A_27 = arith.constant 1 : i32
    %scan3A_28 = scf.for %scan3A_30 = %scan3A_24 to %scan3A_26 step %scan3A_27 iter_args(%scan3A_31 = %scan3A) -> (i32)  : i32 {
      %mul3A_32 = arith.constant 2 : i32
      %mul3A_33 = arith.muli %scan3A_30, %mul3A_32 : i32
      %add3A_34 = arith.constant 0 : i32
      %add3A_35 = arith.addi %mul3A_33, %add3A_34 : i32
      %add3A_36 = arith.constant 1 : i32
      %add3A_37 = arith.addi %add3A_35, %add3A_36 : i32
      %lt3A = arith.constant 128 : i32
      %lt3A_38 = arith.cmpi slt, %add3A_37, %lt3A : i32
      %convert_element_type3A = arith.extui %lt3A_38 : i1 to i32
      %cond3A = arith.constant 0 : i32
      %cond3A_39 = arith.cmpi ne, %convert_element_type3A, %cond3A : i32
      scf.if %cond3A_39 {
        %add3A_203 = arith.constant 1 : i32
        %add3A_204 = arith.addi %add3A_35, %add3A_203 : i32
        %mul3A_205 = arith.constant 200 : i32
        %mul3A_206 = arith.muli %add3A_204, %mul3A_205 : i32
        %dma_start3A_207 = arith.constant 1 : i32
        %dma_start3A_208 = arith.constant 0 : i32
        %dma_start3A_209 = arith.constant 0 : i32
        %dma_start3A_210 = tpu.memref_slice %arg6[%dma_start3A_207, %dma_start3A_208, %dma_start3A_209] : memref<2x200x128xf32, #tpu.memory_space<vmem>> -> memref<1x128x128xf32, #tpu.memory_space<vmem>>
        %dma_start3A_211 = tpu.memref_squeeze %dma_start3A_210 : memref<1x128x128xf32, #tpu.memory_space<vmem>> -> memref<128x128xf32, #tpu.memory_space<vmem>>
        %dma_start3A_212 = tpu.memref_slice %arg5[%mul3A_206] : memref<25600xi32, #tpu.memory_space<vmem>> -> memref<128xi32, #tpu.memory_space<vmem>>
        %dma_start3A_213 = arith.constant 0 : i32
        %dma_start3A_214 = arith.constant 0 : i32
        %dma_start3A_215 = tpu.memref_slice %arg3[%dma_start3A_213, %dma_start3A_214] : memref<100000x128xf32, #tpu.memory_space<hbm>> -> memref<100000x128xf32, #tpu.memory_space<hbm>>
        tpu.enqueue_indirect_dma source(%dma_start3A_215 : memref<100000x128xf32, #tpu.memory_space<hbm>>) target(%dma_start3A_211 : memref<128x128xf32, #tpu.memory_space<vmem>>) offsets(%dma_start3A_212 : memref<128xi32, #tpu.memory_space<vmem>>) semaphore(%arg9 : memref<!tpu.dma_semaphore, #tpu.memory_space<semaphore_mem>>)
        %add3A_216 = arith.constant 128 : i32
        %add3A_217 = arith.addi %mul3A_206, %add3A_216 : i32
        %dma_start3A_218 = arith.constant 1 : i32
        %dma_start3A_219 = arith.constant 128 : i32
        %dma_start3A_220 = arith.constant 0 : i32
        %dma_start3A_221 = tpu.memref_slice %arg6[%dma_start3A_218, %dma_start3A_219, %dma_start3A_220] : memref<2x200x128xf32, #tpu.memory_space<vmem>> -> memref<1x72x128xf32, #tpu.memory_space<vmem>>
        %dma_start3A_222 = tpu.memref_squeeze %dma_start3A_221 : memref<1x72x128xf32, #tpu.memory_space<vmem>> -> memref<72x128xf32, #tpu.memory_space<vmem>>
        %dma_start3A_223 = tpu.memref_slice %arg5[%add3A_217] : memref<25600xi32, #tpu.memory_space<vmem>> -> memref<72xi32, #tpu.memory_space<vmem>>
        %dma_start3A_224 = arith.constant 0 : i32
        %dma_start3A_225 = arith.constant 0 : i32
        %dma_start3A_226 = tpu.memref_slice %arg3[%dma_start3A_224, %dma_start3A_225] : memref<100000x128xf32, #tpu.memory_space<hbm>> -> memref<100000x128xf32, #tpu.memory_space<hbm>>
        tpu.enqueue_indirect_dma source(%dma_start3A_226 : memref<100000x128xf32, #tpu.memory_space<hbm>>) target(%dma_start3A_222 : memref<72x128xf32, #tpu.memory_space<vmem>>) offsets(%dma_start3A_223 : memref<72xi32, #tpu.memory_space<vmem>>) semaphore(%arg9 : memref<!tpu.dma_semaphore, #tpu.memory_space<semaphore_mem>>)
      } else {
      }
      %dma_wait3A = arith.constant 0 : i32
      %dma_wait3A_40 = arith.constant 0 : i32
      %dma_wait3A_41 = arith.constant 0 : i32
      %dma_wait3A_42 = tpu.memref_slice %arg6[%dma_wait3A, %dma_wait3A_40, %dma_wait3A_41] : memref<2x200x128xf32, #tpu.memory_space<vmem>> -> memref<1x200x128xf32, #tpu.memory_space<vmem>>
      %dma_wait3A_43 = tpu.memref_squeeze %dma_wait3A_42 : memref<1x200x128xf32, #tpu.memory_space<vmem>> -> memref<200x128xf32, #tpu.memory_space<vmem>>
      %dma_wait3A_44 = arith.constant 0 : i32
      %dma_wait3A_45 = arith.constant 0 : i32
      %dma_wait3A_46 = tpu.memref_slice %arg3[%dma_wait3A_44, %dma_wait3A_45] : memref<100000x128xf32, #tpu.memory_space<hbm>> -> memref<200x128xf32, #tpu.memory_space<hbm>>
      %dma_wait3A_47 = arith.constant 0 : i32
      %dma_wait3A_48 = arith.constant 0 : i32
      %dma_wait3A_49 = tpu.memref_slice %arg6[%dma_wait3A, %dma_wait3A_47, %dma_wait3A_48] : memref<2x200x128xf32, #tpu.memory_space<vmem>> -> memref<1x200x128xf32, #tpu.memory_space<vmem>>
      %dma_wait3A_50 = tpu.memref_squeeze %dma_wait3A_49 : memref<1x200x128xf32, #tpu.memory_space<vmem>> -> memref<200x128xf32, #tpu.memory_space<vmem>>
      %dma_wait3A_51 = arith.constant 0 : i32
      %dma_wait3A_52 = arith.constant 0 : i32
      %dma_wait3A_53 = tpu.memref_slice %arg3[%dma_wait3A_51, %dma_wait3A_52] : memref<100000x128xf32, #tpu.memory_space<hbm>> -> memref<200x128xf32, #tpu.memory_space<hbm>>
      tpu.wait_dma2 semaphore(%arg8 : memref<!tpu.dma_semaphore, #tpu.memory_space<semaphore_mem>>) src(%dma_wait3A_53 : memref<200x128xf32, #tpu.memory_space<hbm>>) dst(%dma_wait3A_50 : memref<200x128xf32, #tpu.memory_space<vmem>>)
      %broadcast_in_dim3A = arith.constant 0.000000e+00 : f32
      %broadcast_in_dim3A_54 = vector.broadcast %broadcast_in_dim3A : f32 to vector<16xf32>
      %broadcast_in_dim3A_55 = arith.constant 0.000000e+00 : f32
      %broadcast_in_dim3A_56 = vector.broadcast %broadcast_in_dim3A_55 : f32 to vector<16xf32>
      %broadcast_in_dim3A_57 = arith.constant 0.000000e+00 : f32
      %broadcast_in_dim3A_58 = vector.broadcast %broadcast_in_dim3A_57 : f32 to vector<16xf32>
      %broadcast_in_dim3A_59 = arith.constant 0.000000e+00 : f32
      %broadcast_in_dim3A_60 = vector.broadcast %broadcast_in_dim3A_59 : f32 to vector<16xf32>
      %broadcast_in_dim3A_61 = arith.constant 0.000000e+00 : f32
      %broadcast_in_dim3A_62 = vector.broadcast %broadcast_in_dim3A_61 : f32 to vector<16xf32>
      %broadcast_in_dim3A_63 = arith.constant 0.000000e+00 : f32
      %broadcast_in_dim3A_64 = vector.broadcast %broadcast_in_dim3A_63 : f32 to vector<16xf32>
      %broadcast_in_dim3A_65 = arith.constant 0.000000e+00 : f32
      %broadcast_in_dim3A_66 = vector.broadcast %broadcast_in_dim3A_65 : f32 to vector<16xf32>
      %broadcast_in_dim3A_67 = arith.constant 0.000000e+00 : f32
      %broadcast_in_dim3A_68 = vector.broadcast %broadcast_in_dim3A_67 : f32 to vector<16xf32>
      %scan3A_69 = arith.constant 0 : i32
      %scan3A_70 = arith.constant 200 : i32
      %scan3A_71 = arith.addi %scan3A_69, %scan3A_70 : i32
      %scan3A_72 = arith.constant 4 : i32
      %scan3A_73:8 = scf.for %scan3A_203 = %scan3A_69 to %scan3A_71 step %scan3A_72 iter_args(%scan3A_204 = %broadcast_in_dim3A_54, %scan3A_205 = %broadcast_in_dim3A_56, %scan3A_206 = %broadcast_in_dim3A_58, %scan3A_207 = %broadcast_in_dim3A_60, %scan3A_208 = %broadcast_in_dim3A_62, %scan3A_209 = %broadcast_in_dim3A_64, %scan3A_210 = %broadcast_in_dim3A_66, %scan3A_211 = %broadcast_in_dim3A_68) -> (vector<16xf32>, vector<16xf32>, vector<16xf32>, vector<16xf32>, vector<16xf32>, vector<16xf32>, vector<16xf32>, vector<16xf32>)  : i32 {
        %get3A = arith.constant 0 : i32
        %get3A_212 = arith.index_cast %get3A : i32 to index
        %get3A_213 = arith.index_cast %scan3A_203 : i32 to index
        %get3A_214 = arith.constant 0 : index
        %get3A_215 = tpu.vector_load %arg6[%get3A_212, %get3A_213, %get3A_214] {strides = array<i32>} : memref<2x200x128xf32, #tpu.memory_space<vmem>>, vector<1x1x16xf32>,
        %get3A_216 = vector.shape_cast %get3A_215 : vector<1x1x16xf32> to vector<16xf32>
        %add3A_217 = arith.addf %scan3A_204, %get3A_216 : vector<16xf32>
        %get3A_218 = arith.constant 0 : i32
        %get3A_219 = arith.index_cast %get3A_218 : i32 to index
        %get3A_220 = arith.index_cast %scan3A_203 : i32 to index
        %get3A_221 = arith.constant 16 : index
        %get3A_222 = tpu.vector_load %arg6[%get3A_219, %get3A_220, %get3A_221] {strides = array<i32>} : memref<2x200x128xf32, #tpu.memory_space<vmem>>, vector<1x1x16xf32>,
        %get3A_223 = vector.shape_cast %get3A_222 : vector<1x1x16xf32> to vector<16xf32>
        %add3A_224 = arith.addf %scan3A_205, %get3A_223 : vector<16xf32>
        %get3A_225 = arith.constant 0 : i32
        %get3A_226 = arith.index_cast %get3A_225 : i32 to index
        %get3A_227 = arith.index_cast %scan3A_203 : i32 to index
        %get3A_228 = arith.constant 32 : index
        %get3A_229 = tpu.vector_load %arg6[%get3A_226, %get3A_227, %get3A_228] {strides = array<i32>} : memref<2x200x128xf32, #tpu.memory_space<vmem>>, vector<1x1x16xf32>,
        %get3A_230 = vector.shape_cast %get3A_229 : vector<1x1x16xf32> to vector<16xf32>
        %add3A_231 = arith.addf %scan3A_206, %get3A_230 : vector<16xf32>
        %get3A_232 = arith.constant 0 : i32
        %get3A_233 = arith.index_cast %get3A_232 : i32 to index
        %get3A_234 = arith.index_cast %scan3A_203 : i32 to index
        %get3A_235 = arith.constant 48 : index
        %get3A_236 = tpu.vector_load %arg6[%get3A_233, %get3A_234, %get3A_235] {strides = array<i32>} : memref<2x200x128xf32, #tpu.memory_space<vmem>>, vector<1x1x16xf32>,
        %get3A_237 = vector.shape_cast %get3A_236 : vector<1x1x16xf32> to vector<16xf32>
        %add3A_238 = arith.addf %scan3A_207, %get3A_237 : vector<16xf32>
        %get3A_239 = arith.constant 0 : i32
        %get3A_240 = arith.index_cast %get3A_239 : i32 to index
        %get3A_241 = arith.index_cast %scan3A_203 : i32 to index
        %get3A_242 = arith.constant 64 : index
        %get3A_243 = tpu.vector_load %arg6[%get3A_240, %get3A_241, %get3A_242] {strides = array<i32>} : memref<2x200x128xf32, #tpu.memory_space<vmem>>, vector<1x1x16xf32>,
        %get3A_244 = vector.shape_cast %get3A_243 : vector<1x1x16xf32> to vector<16xf32>
        %add3A_245 = arith.addf %scan3A_208, %get3A_244 : vector<16xf32>
        %get3A_246 = arith.constant 0 : i32
        %get3A_247 = arith.index_cast %get3A_246 : i32 to index
        %get3A_248 = arith.index_cast %scan3A_203 : i32 to index
        %get3A_249 = arith.constant 80 : index
        %get3A_250 = tpu.vector_load %arg6[%get3A_247, %get3A_248, %get3A_249] {strides = array<i32>} : memref<2x200x128xf32, #tpu.memory_space<vmem>>, vector<1x1x16xf32>,
        %get3A_251 = vector.shape_cast %get3A_250 : vector<1x1x16xf32> to vector<16xf32>
        %add3A_252 = arith.addf %scan3A_209, %get3A_251 : vector<16xf32>
        %get3A_253 = arith.constant 0 : i32
        %get3A_254 = arith.index_cast %get3A_253 : i32 to index
        %get3A_255 = arith.index_cast %scan3A_203 : i32 to index
        %get3A_256 = arith.constant 96 : index
        %get3A_257 = tpu.vector_load %arg6[%get3A_254, %get3A_255, %get3A_256] {strides = array<i32>} : memref<2x200x128xf32, #tpu.memory_space<vmem>>, vector<1x1x16xf32>,
        %get3A_258 = vector.shape_cast %get3A_257 : vector<1x1x16xf32> to vector<16xf32>
        %add3A_259 = arith.addf %scan3A_210, %get3A_258 : vector<16xf32>
        %get3A_260 = arith.constant 0 : i32
        %get3A_261 = arith.index_cast %get3A_260 : i32 to index
        %get3A_262 = arith.index_cast %scan3A_203 : i32 to index
        %get3A_263 = arith.constant 112 : index
        %get3A_264 = tpu.vector_load %arg6[%get3A_261, %get3A_262, %get3A_263] {strides = array<i32>} : memref<2x200x128xf32, #tpu.memory_space<vmem>>, vector<1x1x16xf32>,
        %get3A_265 = vector.shape_cast %get3A_264 : vector<1x1x16xf32> to vector<16xf32>
        %add3A_266 = arith.addf %scan3A_211, %get3A_265 : vector<16xf32>
        %scan3A_267 = arith.constant 1 : i32
        %scan3A_268 = arith.addi %scan3A_203, %scan3A_267 : i32
        %get3A_269 = arith.constant 0 : i32
        %get3A_270 = arith.index_cast %get3A_269 : i32 to index
        %get3A_271 = arith.index_cast %scan3A_268 : i32 to index
        %get3A_272 = arith.constant 0 : index
        %get3A_273 = tpu.vector_load %arg6[%get3A_270, %get3A_271, %get3A_272] {strides = array<i32>} : memref<2x200x128xf32, #tpu.memory_space<vmem>>, vector<1x1x16xf32>,
        %get3A_274 = vector.shape_cast %get3A_273 : vector<1x1x16xf32> to vector<16xf32>
        %add3A_275 = arith.addf %add3A_217, %get3A_274 : vector<16xf32>
        %get3A_276 = arith.constant 0 : i32
        %get3A_277 = arith.index_cast %get3A_276 : i32 to index
        %get3A_278 = arith.index_cast %scan3A_268 : i32 to index
        %get3A_279 = arith.constant 16 : index
        %get3A_280 = tpu.vector_load %arg6[%get3A_277, %get3A_278, %get3A_279] {strides = array<i32>} : memref<2x200x128xf32, #tpu.memory_space<vmem>>, vector<1x1x16xf32>,
        %get3A_281 = vector.shape_cast %get3A_280 : vector<1x1x16xf32> to vector<16xf32>
        %add3A_282 = arith.addf %add3A_224, %get3A_281 : vector<16xf32>
        %get3A_283 = arith.constant 0 : i32
        %get3A_284 = arith.index_cast %get3A_283 : i32 to index
        %get3A_285 = arith.index_cast %scan3A_268 : i32 to index
        %get3A_286 = arith.constant 32 : index
        %get3A_287 = tpu.vector_load %arg6[%get3A_284, %get3A_285, %get3A_286] {strides = array<i32>} : memref<2x200x128xf32, #tpu.memory_space<vmem>>, vector<1x1x16xf32>,
        %get3A_288 = vector.shape_cast %get3A_287 : vector<1x1x16xf32> to vector<16xf32>
        %add3A_289 = arith.addf %add3A_231, %get3A_288 : vector<16xf32>
        %get3A_290 = arith.constant 0 : i32
        %get3A_291 = arith.index_cast %get3A_290 : i32 to index
        %get3A_292 = arith.index_cast %scan3A_268 : i32 to index
        %get3A_293 = arith.constant 48 : index
        %get3A_294 = tpu.vector_load %arg6[%get3A_291, %get3A_292, %get3A_293] {strides = array<i32>} : memref<2x200x128xf32, #tpu.memory_space<vmem>>, vector<1x1x16xf32>,
        %get3A_295 = vector.shape_cast %get3A_294 : vector<1x1x16xf32> to vector<16xf32>
        %add3A_296 = arith.addf %add3A_238, %get3A_295 : vector<16xf32>
        %get3A_297 = arith.constant 0 : i32
        %get3A_298 = arith.index_cast %get3A_297 : i32 to index
        %get3A_299 = arith.index_cast %scan3A_268 : i32 to index
        %get3A_300 = arith.constant 64 : index
        %get3A_301 = tpu.vector_load %arg6[%get3A_298, %get3A_299, %get3A_300] {strides = array<i32>} : memref<2x200x128xf32, #tpu.memory_space<vmem>>, vector<1x1x16xf32>,
        %get3A_302 = vector.shape_cast %get3A_301 : vector<1x1x16xf32> to vector<16xf32>
        %add3A_303 = arith.addf %add3A_245, %get3A_302 : vector<16xf32>
        %get3A_304 = arith.constant 0 : i32
        %get3A_305 = arith.index_cast %get3A_304 : i32 to index
        %get3A_306 = arith.index_cast %scan3A_268 : i32 to index
        %get3A_307 = arith.constant 80 : index
        %get3A_308 = tpu.vector_load %arg6[%get3A_305, %get3A_306, %get3A_307] {strides = array<i32>} : memref<2x200x128xf32, #tpu.memory_space<vmem>>, vector<1x1x16xf32>,
        %get3A_309 = vector.shape_cast %get3A_308 : vector<1x1x16xf32> to vector<16xf32>
        %add3A_310 = arith.addf %add3A_252, %get3A_309 : vector<16xf32>
        %get3A_311 = arith.constant 0 : i32
        %get3A_312 = arith.index_cast %get3A_311 : i32 to index
        %get3A_313 = arith.index_cast %scan3A_268 : i32 to index
        %get3A_314 = arith.constant 96 : index
        %get3A_315 = tpu.vector_load %arg6[%get3A_312, %get3A_313, %get3A_314] {strides = array<i32>} : memref<2x200x128xf32, #tpu.memory_space<vmem>>, vector<1x1x16xf32>,
        %get3A_316 = vector.shape_cast %get3A_315 : vector<1x1x16xf32> to vector<16xf32>
        %add3A_317 = arith.addf %add3A_259, %get3A_316 : vector<16xf32>
        %get3A_318 = arith.constant 0 : i32
        %get3A_319 = arith.index_cast %get3A_318 : i32 to index
        %get3A_320 = arith.index_cast %scan3A_268 : i32 to index
        %get3A_321 = arith.constant 112 : index
        %get3A_322 = tpu.vector_load %arg6[%get3A_319, %get3A_320, %get3A_321] {strides = array<i32>} : memref<2x200x128xf32, #tpu.memory_space<vmem>>, vector<1x1x16xf32>,
        %get3A_323 = vector.shape_cast %get3A_322 : vector<1x1x16xf32> to vector<16xf32>
        %add3A_324 = arith.addf %add3A_266, %get3A_323 : vector<16xf32>
        %scan3A_325 = arith.constant 2 : i32
        %scan3A_326 = arith.addi %scan3A_203, %scan3A_325 : i32
        %get3A_327 = arith.constant 0 : i32
        %get3A_328 = arith.index_cast %get3A_327 : i32 to index
        %get3A_329 = arith.index_cast %scan3A_326 : i32 to index
        %get3A_330 = arith.constant 0 : index
        %get3A_331 = tpu.vector_load %arg6[%get3A_328, %get3A_329, %get3A_330] {strides = array<i32>} : memref<2x200x128xf32, #tpu.memory_space<vmem>>, vector<1x1x16xf32>,
        %get3A_332 = vector.shape_cast %get3A_331 : vector<1x1x16xf32> to vector<16xf32>
        %add3A_333 = arith.addf %add3A_275, %get3A_332 : vector<16xf32>
        %get3A_334 = arith.constant 0 : i32
        %get3A_335 = arith.index_cast %get3A_334 : i32 to index
        %get3A_336 = arith.index_cast %scan3A_326 : i32 to index
        %get3A_337 = arith.constant 16 : index
        %get3A_338 = tpu.vector_load %arg6[%get3A_335, %get3A_336, %get3A_337] {strides = array<i32>} : memref<2x200x128xf32, #tpu.memory_space<vmem>>, vector<1x1x16xf32>,
        %get3A_339 = vector.shape_cast %get3A_338 : vector<1x1x16xf32> to vector<16xf32>
        %add3A_340 = arith.addf %add3A_282, %get3A_339 : vector<16xf32>
        %get3A_341 = arith.constant 0 : i32
        %get3A_342 = arith.index_cast %get3A_341 : i32 to index
        %get3A_343 = arith.index_cast %scan3A_326 : i32 to index
        %get3A_344 = arith.constant 32 : index
        %get3A_345 = tpu.vector_load %arg6[%get3A_342, %get3A_343, %get3A_344] {strides = array<i32>} : memref<2x200x128xf32, #tpu.memory_space<vmem>>, vector<1x1x16xf32>,
        %get3A_346 = vector.shape_cast %get3A_345 : vector<1x1x16xf32> to vector<16xf32>
        %add3A_347 = arith.addf %add3A_289, %get3A_346 : vector<16xf32>
        %get3A_348 = arith.constant 0 : i32
        %get3A_349 = arith.index_cast %get3A_348 : i32 to index
        %get3A_350 = arith.index_cast %scan3A_326 : i32 to index
        %get3A_351 = arith.constant 48 : index
        %get3A_352 = tpu.vector_load %arg6[%get3A_349, %get3A_350, %get3A_351] {strides = array<i32>} : memref<2x200x128xf32, #tpu.memory_space<vmem>>, vector<1x1x16xf32>,
        %get3A_353 = vector.shape_cast %get3A_352 : vector<1x1x16xf32> to vector<16xf32>
        %add3A_354 = arith.addf %add3A_296, %get3A_353 : vector<16xf32>
        %get3A_355 = arith.constant 0 : i32
        %get3A_356 = arith.index_cast %get3A_355 : i32 to index
        %get3A_357 = arith.index_cast %scan3A_326 : i32 to index
        %get3A_358 = arith.constant 64 : index
        %get3A_359 = tpu.vector_load %arg6[%get3A_356, %get3A_357, %get3A_358] {strides = array<i32>} : memref<2x200x128xf32, #tpu.memory_space<vmem>>, vector<1x1x16xf32>,
        %get3A_360 = vector.shape_cast %get3A_359 : vector<1x1x16xf32> to vector<16xf32>
        %add3A_361 = arith.addf %add3A_303, %get3A_360 : vector<16xf32>
        %get3A_362 = arith.constant 0 : i32
        %get3A_363 = arith.index_cast %get3A_362 : i32 to index
        %get3A_364 = arith.index_cast %scan3A_326 : i32 to index
        %get3A_365 = arith.constant 80 : index
        %get3A_366 = tpu.vector_load %arg6[%get3A_363, %get3A_364, %get3A_365] {strides = array<i32>} : memref<2x200x128xf32, #tpu.memory_space<vmem>>, vector<1x1x16xf32>,
        %get3A_367 = vector.shape_cast %get3A_366 : vector<1x1x16xf32> to vector<16xf32>
        %add3A_368 = arith.addf %add3A_310, %get3A_367 : vector<16xf32>
        %get3A_369 = arith.constant 0 : i32
        %get3A_370 = arith.index_cast %get3A_369 : i32 to index
        %get3A_371 = arith.index_cast %scan3A_326 : i32 to index
        %get3A_372 = arith.constant 96 : index
        %get3A_373 = tpu.vector_load %arg6[%get3A_370, %get3A_371, %get3A_372] {strides = array<i32>} : memref<2x200x128xf32, #tpu.memory_space<vmem>>, vector<1x1x16xf32>,
        %get3A_374 = vector.shape_cast %get3A_373 : vector<1x1x16xf32> to vector<16xf32>
        %add3A_375 = arith.addf %add3A_317, %get3A_374 : vector<16xf32>
        %get3A_376 = arith.constant 0 : i32
        %get3A_377 = arith.index_cast %get3A_376 : i32 to index
        %get3A_378 = arith.index_cast %scan3A_326 : i32 to index
        %get3A_379 = arith.constant 112 : index
        %get3A_380 = tpu.vector_load %arg6[%get3A_377, %get3A_378, %get3A_379] {strides = array<i32>} : memref<2x200x128xf32, #tpu.memory_space<vmem>>, vector<1x1x16xf32>,
        %get3A_381 = vector.shape_cast %get3A_380 : vector<1x1x16xf32> to vector<16xf32>
        %add3A_382 = arith.addf %add3A_324, %get3A_381 : vector<16xf32>
        %scan3A_383 = arith.constant 3 : i32
        %scan3A_384 = arith.addi %scan3A_203, %scan3A_383 : i32
        %get3A_385 = arith.constant 0 : i32
        %get3A_386 = arith.index_cast %get3A_385 : i32 to index
        %get3A_387 = arith.index_cast %scan3A_384 : i32 to index
        %get3A_388 = arith.constant 0 : index
        %get3A_389 = tpu.vector_load %arg6[%get3A_386, %get3A_387, %get3A_388] {strides = array<i32>} : memref<2x200x128xf32, #tpu.memory_space<vmem>>, vector<1x1x16xf32>,
        %get3A_390 = vector.shape_cast %get3A_389 : vector<1x1x16xf32> to vector<16xf32>
        %add3A_391 = arith.addf %add3A_333, %get3A_390 : vector<16xf32>
        %get3A_392 = arith.constant 0 : i32
        %get3A_393 = arith.index_cast %get3A_392 : i32 to index
        %get3A_394 = arith.index_cast %scan3A_384 : i32 to index
        %get3A_395 = arith.constant 16 : index
        %get3A_396 = tpu.vector_load %arg6[%get3A_393, %get3A_394, %get3A_395] {strides = array<i32>} : memref<2x200x128xf32, #tpu.memory_space<vmem>>, vector<1x1x16xf32>,
        %get3A_397 = vector.shape_cast %get3A_396 : vector<1x1x16xf32> to vector<16xf32>
        %add3A_398 = arith.addf %add3A_340, %get3A_397 : vector<16xf32>
        %get3A_399 = arith.constant 0 : i32
        %get3A_400 = arith.index_cast %get3A_399 : i32 to index
        %get3A_401 = arith.index_cast %scan3A_384 : i32 to index
        %get3A_402 = arith.constant 32 : index
        %get3A_403 = tpu.vector_load %arg6[%get3A_400, %get3A_401, %get3A_402] {strides = array<i32>} : memref<2x200x128xf32, #tpu.memory_space<vmem>>, vector<1x1x16xf32>,
        %get3A_404 = vector.shape_cast %get3A_403 : vector<1x1x16xf32> to vector<16xf32>
        %add3A_405 = arith.addf %add3A_347, %get3A_404 : vector<16xf32>
        %get3A_406 = arith.constant 0 : i32
        %get3A_407 = arith.index_cast %get3A_406 : i32 to index
        %get3A_408 = arith.index_cast %scan3A_384 : i32 to index
        %get3A_409 = arith.constant 48 : index
        %get3A_410 = tpu.vector_load %arg6[%get3A_407, %get3A_408, %get3A_409] {strides = array<i32>} : memref<2x200x128xf32, #tpu.memory_space<vmem>>, vector<1x1x16xf32>,
        %get3A_411 = vector.shape_cast %get3A_410 : vector<1x1x16xf32> to vector<16xf32>
        %add3A_412 = arith.addf %add3A_354, %get3A_411 : vector<16xf32>
        %get3A_413 = arith.constant 0 : i32
        %get3A_414 = arith.index_cast %get3A_413 : i32 to index
        %get3A_415 = arith.index_cast %scan3A_384 : i32 to index
        %get3A_416 = arith.constant 64 : index
        %get3A_417 = tpu.vector_load %arg6[%get3A_414, %get3A_415, %get3A_416] {strides = array<i32>} : memref<2x200x128xf32, #tpu.memory_space<vmem>>, vector<1x1x16xf32>,
        %get3A_418 = vector.shape_cast %get3A_417 : vector<1x1x16xf32> to vector<16xf32>
        %add3A_419 = arith.addf %add3A_361, %get3A_418 : vector<16xf32>
        %get3A_420 = arith.constant 0 : i32
        %get3A_421 = arith.index_cast %get3A_420 : i32 to index
        %get3A_422 = arith.index_cast %scan3A_384 : i32 to index
        %get3A_423 = arith.constant 80 : index
        %get3A_424 = tpu.vector_load %arg6[%get3A_421, %get3A_422, %get3A_423] {strides = array<i32>} : memref<2x200x128xf32, #tpu.memory_space<vmem>>, vector<1x1x16xf32>,
        %get3A_425 = vector.shape_cast %get3A_424 : vector<1x1x16xf32> to vector<16xf32>
        %add3A_426 = arith.addf %add3A_368, %get3A_425 : vector<16xf32>
        %get3A_427 = arith.constant 0 : i32
        %get3A_428 = arith.index_cast %get3A_427 : i32 to index
        %get3A_429 = arith.index_cast %scan3A_384 : i32 to index
        %get3A_430 = arith.constant 96 : index
        %get3A_431 = tpu.vector_load %arg6[%get3A_428, %get3A_429, %get3A_430] {strides = array<i32>} : memref<2x200x128xf32, #tpu.memory_space<vmem>>, vector<1x1x16xf32>,
        %get3A_432 = vector.shape_cast %get3A_431 : vector<1x1x16xf32> to vector<16xf32>
        %add3A_433 = arith.addf %add3A_375, %get3A_432 : vector<16xf32>
        %get3A_434 = arith.constant 0 : i32
        %get3A_435 = arith.index_cast %get3A_434 : i32 to index
        %get3A_436 = arith.index_cast %scan3A_384 : i32 to index
        %get3A_437 = arith.constant 112 : index
        %get3A_438 = tpu.vector_load %arg6[%get3A_435, %get3A_436, %get3A_437] {strides = array<i32>} : memref<2x200x128xf32, #tpu.memory_space<vmem>>, vector<1x1x16xf32>,
        %get3A_439 = vector.shape_cast %get3A_438 : vector<1x1x16xf32> to vector<16xf32>
        %add3A_440 = arith.addf %add3A_382, %get3A_439 : vector<16xf32>
        scf.yield %add3A_391, %add3A_398, %add3A_405, %add3A_412, %add3A_419, %add3A_426, %add3A_433, %add3A_440 : vector<16xf32>, vector<16xf32>, vector<16xf32>, vector<16xf32>, vector<16xf32>, vector<16xf32>, vector<16xf32>, vector<16xf32>
      }
      %scan3A_74 = arith.constant 200 : i32
      %swap3A = arith.index_cast %add3A_35 : i32 to index
      %swap3A_75 = arith.constant 0 : index
      %swap3A_76 = tpu.vector_load %arg7[%swap3A, %swap3A_75] {strides = array<i32>} : memref<128x128xf32, #tpu.memory_space<vmem>>, vector<1x16xf32>,
      %swap3A_77 = vector.shape_cast %swap3A_76 : vector<1x16xf32> to vector<16xf32>
      %swap3A_78 = vector.shape_cast %scan3A_73#0 : vector<16xf32> to vector<1x16xf32>
      tpu.vector_store %arg7[%swap3A, %swap3A_75], %swap3A_78 {strides = array<i32>} : memref<128x128xf32, #tpu.memory_space<vmem>>, vector<1x16xf32>,
      %swap3A_79 = arith.index_cast %add3A_35 : i32 to index
      %swap3A_80 = arith.constant 16 : index
      %swap3A_81 = tpu.vector_load %arg7[%swap3A_79, %swap3A_80] {strides = array<i32>} : memref<128x128xf32, #tpu.memory_space<vmem>>, vector<1x16xf32>,
      %swap3A_82 = vector.shape_cast %swap3A_81 : vector<1x16xf32> to vector<16xf32>
      %swap3A_83 = vector.shape_cast %scan3A_73#1 : vector<16xf32> to vector<1x16xf32>
      tpu.vector_store %arg7[%swap3A_79, %swap3A_80], %swap3A_83 {strides = array<i32>} : memref<128x128xf32, #tpu.memory_space<vmem>>, vector<1x16xf32>,
      %swap3A_84 = arith.index_cast %add3A_35 : i32 to index
      %swap3A_85 = arith.constant 32 : index
      %swap3A_86 = tpu.vector_load %arg7[%swap3A_84, %swap3A_85] {strides = array<i32>} : memref<128x128xf32, #tpu.memory_space<vmem>>, vector<1x16xf32>,
      %swap3A_87 = vector.shape_cast %swap3A_86 : vector<1x16xf32> to vector<16xf32>
      %swap3A_88 = vector.shape_cast %scan3A_73#2 : vector<16xf32> to vector<1x16xf32>
      tpu.vector_store %arg7[%swap3A_84, %swap3A_85], %swap3A_88 {strides = array<i32>} : memref<128x128xf32, #tpu.memory_space<vmem>>, vector<1x16xf32>,
      %swap3A_89 = arith.index_cast %add3A_35 : i32 to index
      %swap3A_90 = arith.constant 48 : index
      %swap3A_91 = tpu.vector_load %arg7[%swap3A_89, %swap3A_90] {strides = array<i32>} : memref<128x128xf32, #tpu.memory_space<vmem>>, vector<1x16xf32>,
      %swap3A_92 = vector.shape_cast %swap3A_91 : vector<1x16xf32> to vector<16xf32>
      %swap3A_93 = vector.shape_cast %scan3A_73#3 : vector<16xf32> to vector<1x16xf32>
      tpu.vector_store %arg7[%swap3A_89, %swap3A_90], %swap3A_93 {strides = array<i32>} : memref<128x128xf32, #tpu.memory_space<vmem>>, vector<1x16xf32>,
      %swap3A_94 = arith.index_cast %add3A_35 : i32 to index
      %swap3A_95 = arith.constant 64 : index
      %swap3A_96 = tpu.vector_load %arg7[%swap3A_94, %swap3A_95] {strides = array<i32>} : memref<128x128xf32, #tpu.memory_space<vmem>>, vector<1x16xf32>,
      %swap3A_97 = vector.shape_cast %swap3A_96 : vector<1x16xf32> to vector<16xf32>
      %swap3A_98 = vector.shape_cast %scan3A_73#4 : vector<16xf32> to vector<1x16xf32>
      tpu.vector_store %arg7[%swap3A_94, %swap3A_95], %swap3A_98 {strides = array<i32>} : memref<128x128xf32, #tpu.memory_space<vmem>>, vector<1x16xf32>,
      %swap3A_99 = arith.index_cast %add3A_35 : i32 to index
      %swap3A_100 = arith.constant 80 : index
      %swap3A_101 = tpu.vector_load %arg7[%swap3A_99, %swap3A_100] {strides = array<i32>} : memref<128x128xf32, #tpu.memory_space<vmem>>, vector<1x16xf32>,
      %swap3A_102 = vector.shape_cast %swap3A_101 : vector<1x16xf32> to vector<16xf32>
      %swap3A_103 = vector.shape_cast %scan3A_73#5 : vector<16xf32> to vector<1x16xf32>
      tpu.vector_store %arg7[%swap3A_99, %swap3A_100], %swap3A_103 {strides = array<i32>} : memref<128x128xf32, #tpu.memory_space<vmem>>, vector<1x16xf32>,
      %swap3A_104 = arith.index_cast %add3A_35 : i32 to index
      %swap3A_105 = arith.constant 96 : index
      %swap3A_106 = tpu.vector_load %arg7[%swap3A_104, %swap3A_105] {strides = array<i32>} : memref<128x128xf32, #tpu.memory_space<vmem>>, vector<1x16xf32>,
      %swap3A_107 = vector.shape_cast %swap3A_106 : vector<1x16xf32> to vector<16xf32>
      %swap3A_108 = vector.shape_cast %scan3A_73#6 : vector<16xf32> to vector<1x16xf32>
      tpu.vector_store %arg7[%swap3A_104, %swap3A_105], %swap3A_108 {strides = array<i32>} : memref<128x128xf32, #tpu.memory_space<vmem>>, vector<1x16xf32>,
      %swap3A_109 = arith.index_cast %add3A_35 : i32 to index
      %swap3A_110 = arith.constant 112 : index
      %swap3A_111 = tpu.vector_load %arg7[%swap3A_109, %swap3A_110] {strides = array<i32>} : memref<128x128xf32, #tpu.memory_space<vmem>>, vector<1x16xf32>,
      %swap3A_112 = vector.shape_cast %swap3A_111 : vector<1x16xf32> to vector<16xf32>
      %swap3A_113 = vector.shape_cast %scan3A_73#7 : vector<16xf32> to vector<1x16xf32>
      tpu.vector_store %arg7[%swap3A_109, %swap3A_110], %swap3A_113 {strides = array<i32>} : memref<128x128xf32, #tpu.memory_space<vmem>>, vector<1x16xf32>,
      %mul3A_114 = arith.constant 2 : i32
      %mul3A_115 = arith.muli %scan3A_30, %mul3A_114 : i32
      %add3A_116 = arith.constant 1 : i32
      %add3A_117 = arith.addi %mul3A_115, %add3A_116 : i32
      %add3A_118 = arith.constant 1 : i32
      %add3A_119 = arith.addi %add3A_117, %add3A_118 : i32
      %lt3A_120 = arith.constant 128 : i32
      %lt3A_121 = arith.cmpi slt, %add3A_119, %lt3A_120 : i32
      %convert_element_type3A_122 = arith.extui %lt3A_121 : i1 to i32
      %cond3A_123 = arith.constant 0 : i32
      %cond3A_124 = arith.cmpi ne, %convert_element_type3A_122, %cond3A_123 : i32
      scf.if %cond3A_124 {
        %add3A_203 = arith.constant 1 : i32
        %add3A_204 = arith.addi %add3A_117, %add3A_203 : i32
        %mul3A_205 = arith.constant 200 : i32
        %mul3A_206 = arith.muli %add3A_204, %mul3A_205 : i32
        %dma_start3A_207 = arith.constant 0 : i32
        %dma_start3A_208 = arith.constant 0 : i32
        %dma_start3A_209 = arith.constant 0 : i32
        %dma_start3A_210 = tpu.memref_slice %arg6[%dma_start3A_207, %dma_start3A_208, %dma_start3A_209] : memref<2x200x128xf32, #tpu.memory_space<vmem>> -> memref<1x128x128xf32, #tpu.memory_space<vmem>>
        %dma_start3A_211 = tpu.memref_squeeze %dma_start3A_210 : memref<1x128x128xf32, #tpu.memory_space<vmem>> -> memref<128x128xf32, #tpu.memory_space<vmem>>
        %dma_start3A_212 = tpu.memref_slice %arg5[%mul3A_206] : memref<25600xi32, #tpu.memory_space<vmem>> -> memref<128xi32, #tpu.memory_space<vmem>>
        %dma_start3A_213 = arith.constant 0 : i32
        %dma_start3A_214 = arith.constant 0 : i32
        %dma_start3A_215 = tpu.memref_slice %arg3[%dma_start3A_213, %dma_start3A_214] : memref<100000x128xf32, #tpu.memory_space<hbm>> -> memref<100000x128xf32, #tpu.memory_space<hbm>>
        tpu.enqueue_indirect_dma source(%dma_start3A_215 : memref<100000x128xf32, #tpu.memory_space<hbm>>) target(%dma_start3A_211 : memref<128x128xf32, #tpu.memory_space<vmem>>) offsets(%dma_start3A_212 : memref<128xi32, #tpu.memory_space<vmem>>) semaphore(%arg8 : memref<!tpu.dma_semaphore, #tpu.memory_space<semaphore_mem>>)
        %add3A_216 = arith.constant 128 : i32
        %add3A_217 = arith.addi %mul3A_206, %add3A_216 : i32
        %dma_start3A_218 = arith.constant 0 : i32
        %dma_start3A_219 = arith.constant 128 : i32
        %dma_start3A_220 = arith.constant 0 : i32
        %dma_start3A_221 = tpu.memref_slice %arg6[%dma_start3A_218, %dma_start3A_219, %dma_start3A_220] : memref<2x200x128xf32, #tpu.memory_space<vmem>> -> memref<1x72x128xf32, #tpu.memory_space<vmem>>
        %dma_start3A_222 = tpu.memref_squeeze %dma_start3A_221 : memref<1x72x128xf32, #tpu.memory_space<vmem>> -> memref<72x128xf32, #tpu.memory_space<vmem>>
        %dma_start3A_223 = tpu.memref_slice %arg5[%add3A_217] : memref<25600xi32, #tpu.memory_space<vmem>> -> memref<72xi32, #tpu.memory_space<vmem>>
        %dma_start3A_224 = arith.constant 0 : i32
        %dma_start3A_225 = arith.constant 0 : i32
        %dma_start3A_226 = tpu.memref_slice %arg3[%dma_start3A_224, %dma_start3A_225] : memref<100000x128xf32, #tpu.memory_space<hbm>> -> memref<100000x128xf32, #tpu.memory_space<hbm>>
        tpu.enqueue_indirect_dma source(%dma_start3A_226 : memref<100000x128xf32, #tpu.memory_space<hbm>>) target(%dma_start3A_222 : memref<72x128xf32, #tpu.memory_space<vmem>>) offsets(%dma_start3A_223 : memref<72xi32, #tpu.memory_space<vmem>>) semaphore(%arg8 : memref<!tpu.dma_semaphore, #tpu.memory_space<semaphore_mem>>)
      } else {
      }
      %dma_wait3A_125 = arith.constant 1 : i32
      %dma_wait3A_126 = arith.constant 0 : i32
      %dma_wait3A_127 = arith.constant 0 : i32
      %dma_wait3A_128 = tpu.memref_slice %arg6[%dma_wait3A_125, %dma_wait3A_126, %dma_wait3A_127] : memref<2x200x128xf32, #tpu.memory_space<vmem>> -> memref<1x200x128xf32, #tpu.memory_space<vmem>>
      %dma_wait3A_129 = tpu.memref_squeeze %dma_wait3A_128 : memref<1x200x128xf32, #tpu.memory_space<vmem>> -> memref<200x128xf32, #tpu.memory_space<vmem>>
      %dma_wait3A_130 = arith.constant 0 : i32
      %dma_wait3A_131 = arith.constant 0 : i32
      %dma_wait3A_132 = tpu.memref_slice %arg3[%dma_wait3A_130, %dma_wait3A_131] : memref<100000x128xf32, #tpu.memory_space<hbm>> -> memref<200x128xf32, #tpu.memory_space<hbm>>
      %dma_wait3A_133 = arith.constant 0 : i32
      %dma_wait3A_134 = arith.constant 0 : i32
      %dma_wait3A_135 = tpu.memref_slice %arg6[%dma_wait3A_125, %dma_wait3A_133, %dma_wait3A_134] : memref<2x200x128xf32, #tpu.memory_space<vmem>> -> memref<1x200x128xf32, #tpu.memory_space<vmem>>
      %dma_wait3A_136 = tpu.memref_squeeze %dma_wait3A_135 : memref<1x200x128xf32, #tpu.memory_space<vmem>> -> memref<200x128xf32, #tpu.memory_space<vmem>>
      %dma_wait3A_137 = arith.constant 0 : i32
      %dma_wait3A_138 = arith.constant 0 : i32
      %dma_wait3A_139 = tpu.memref_slice %arg3[%dma_wait3A_137, %dma_wait3A_138] : memref<100000x128xf32, #tpu.memory_space<hbm>> -> memref<200x128xf32, #tpu.memory_space<hbm>>
      tpu.wait_dma2 semaphore(%arg9 : memref<!tpu.dma_semaphore, #tpu.memory_space<semaphore_mem>>) src(%dma_wait3A_139 : memref<200x128xf32, #tpu.memory_space<hbm>>) dst(%dma_wait3A_136 : memref<200x128xf32, #tpu.memory_space<vmem>>)
      %broadcast_in_dim3A_140 = arith.constant 0.000000e+00 : f32
      %broadcast_in_dim3A_141 = vector.broadcast %broadcast_in_dim3A_140 : f32 to vector<16xf32>
      %broadcast_in_dim3A_142 = arith.constant 0.000000e+00 : f32
      %broadcast_in_dim3A_143 = vector.broadcast %broadcast_in_dim3A_142 : f32 to vector<16xf32>
      %broadcast_in_dim3A_144 = arith.constant 0.000000e+00 : f32
      %broadcast_in_dim3A_145 = vector.broadcast %broadcast_in_dim3A_144 : f32 to vector<16xf32>
      %broadcast_in_dim3A_146 = arith.constant 0.000000e+00 : f32
      %broadcast_in_dim3A_147 = vector.broadcast %broadcast_in_dim3A_146 : f32 to vector<16xf32>
      %broadcast_in_dim3A_148 = arith.constant 0.000000e+00 : f32
      %broadcast_in_dim3A_149 = vector.broadcast %broadcast_in_dim3A_148 : f32 to vector<16xf32>
      %broadcast_in_dim3A_150 = arith.constant 0.000000e+00 : f32
      %broadcast_in_dim3A_151 = vector.broadcast %broadcast_in_dim3A_150 : f32 to vector<16xf32>
      %broadcast_in_dim3A_152 = arith.constant 0.000000e+00 : f32
      %broadcast_in_dim3A_153 = vector.broadcast %broadcast_in_dim3A_152 : f32 to vector<16xf32>
      %broadcast_in_dim3A_154 = arith.constant 0.000000e+00 : f32
      %broadcast_in_dim3A_155 = vector.broadcast %broadcast_in_dim3A_154 : f32 to vector<16xf32>
      %scan3A_156 = arith.constant 0 : i32
      %scan3A_157 = arith.constant 200 : i32
      %scan3A_158 = arith.addi %scan3A_156, %scan3A_157 : i32
      %scan3A_159 = arith.constant 4 : i32
      %scan3A_160:8 = scf.for %scan3A_203 = %scan3A_156 to %scan3A_158 step %scan3A_159 iter_args(%scan3A_204 = %broadcast_in_dim3A_141, %scan3A_205 = %broadcast_in_dim3A_143, %scan3A_206 = %broadcast_in_dim3A_145, %scan3A_207 = %broadcast_in_dim3A_147, %scan3A_208 = %broadcast_in_dim3A_149, %scan3A_209 = %broadcast_in_dim3A_151, %scan3A_210 = %broadcast_in_dim3A_153, %scan3A_211 = %broadcast_in_dim3A_155) -> (vector<16xf32>, vector<16xf32>, vector<16xf32>, vector<16xf32>, vector<16xf32>, vector<16xf32>, vector<16xf32>, vector<16xf32>)  : i32 {
        %get3A = arith.constant 1 : i32
        %get3A_212 = arith.index_cast %get3A : i32 to index
        %get3A_213 = arith.index_cast %scan3A_203 : i32 to index
        %get3A_214 = arith.constant 0 : index
        %get3A_215 = tpu.vector_load %arg6[%get3A_212, %get3A_213, %get3A_214] {strides = array<i32>} : memref<2x200x128xf32, #tpu.memory_space<vmem>>, vector<1x1x16xf32>,
        %get3A_216 = vector.shape_cast %get3A_215 : vector<1x1x16xf32> to vector<16xf32>
        %add3A_217 = arith.addf %scan3A_204, %get3A_216 : vector<16xf32>
        %get3A_218 = arith.constant 1 : i32
        %get3A_219 = arith.index_cast %get3A_218 : i32 to index
        %get3A_220 = arith.index_cast %scan3A_203 : i32 to index
        %get3A_221 = arith.constant 16 : index
        %get3A_222 = tpu.vector_load %arg6[%get3A_219, %get3A_220, %get3A_221] {strides = array<i32>} : memref<2x200x128xf32, #tpu.memory_space<vmem>>, vector<1x1x16xf32>,
        %get3A_223 = vector.shape_cast %get3A_222 : vector<1x1x16xf32> to vector<16xf32>
        %add3A_224 = arith.addf %scan3A_205, %get3A_223 : vector<16xf32>
        %get3A_225 = arith.constant 1 : i32
        %get3A_226 = arith.index_cast %get3A_225 : i32 to index
        %get3A_227 = arith.index_cast %scan3A_203 : i32 to index
        %get3A_228 = arith.constant 32 : index
        %get3A_229 = tpu.vector_load %arg6[%get3A_226, %get3A_227, %get3A_228] {strides = array<i32>} : memref<2x200x128xf32, #tpu.memory_space<vmem>>, vector<1x1x16xf32>,
        %get3A_230 = vector.shape_cast %get3A_229 : vector<1x1x16xf32> to vector<16xf32>
        %add3A_231 = arith.addf %scan3A_206, %get3A_230 : vector<16xf32>
        %get3A_232 = arith.constant 1 : i32
        %get3A_233 = arith.index_cast %get3A_232 : i32 to index
        %get3A_234 = arith.index_cast %scan3A_203 : i32 to index
        %get3A_235 = arith.constant 48 : index
        %get3A_236 = tpu.vector_load %arg6[%get3A_233, %get3A_234, %get3A_235] {strides = array<i32>} : memref<2x200x128xf32, #tpu.memory_space<vmem>>, vector<1x1x16xf32>,
        %get3A_237 = vector.shape_cast %get3A_236 : vector<1x1x16xf32> to vector<16xf32>
        %add3A_238 = arith.addf %scan3A_207, %get3A_237 : vector<16xf32>
        %get3A_239 = arith.constant 1 : i32
        %get3A_240 = arith.index_cast %get3A_239 : i32 to index
        %get3A_241 = arith.index_cast %scan3A_203 : i32 to index
        %get3A_242 = arith.constant 64 : index
        %get3A_243 = tpu.vector_load %arg6[%get3A_240, %get3A_241, %get3A_242] {strides = array<i32>} : memref<2x200x128xf32, #tpu.memory_space<vmem>>, vector<1x1x16xf32>,
        %get3A_244 = vector.shape_cast %get3A_243 : vector<1x1x16xf32> to vector<16xf32>
        %add3A_245 = arith.addf %scan3A_208, %get3A_244 : vector<16xf32>
        %get3A_246 = arith.constant 1 : i32
        %get3A_247 = arith.index_cast %get3A_246 : i32 to index
        %get3A_248 = arith.index_cast %scan3A_203 : i32 to index
        %get3A_249 = arith.constant 80 : index
        %get3A_250 = tpu.vector_load %arg6[%get3A_247, %get3A_248, %get3A_249] {strides = array<i32>} : memref<2x200x128xf32, #tpu.memory_space<vmem>>, vector<1x1x16xf32>,
        %get3A_251 = vector.shape_cast %get3A_250 : vector<1x1x16xf32> to vector<16xf32>
        %add3A_252 = arith.addf %scan3A_209, %get3A_251 : vector<16xf32>
        %get3A_253 = arith.constant 1 : i32
        %get3A_254 = arith.index_cast %get3A_253 : i32 to index
        %get3A_255 = arith.index_cast %scan3A_203 : i32 to index
        %get3A_256 = arith.constant 96 : index
        %get3A_257 = tpu.vector_load %arg6[%get3A_254, %get3A_255, %get3A_256] {strides = array<i32>} : memref<2x200x128xf32, #tpu.memory_space<vmem>>, vector<1x1x16xf32>,
        %get3A_258 = vector.shape_cast %get3A_257 : vector<1x1x16xf32> to vector<16xf32>
        %add3A_259 = arith.addf %scan3A_210, %get3A_258 : vector<16xf32>
        %get3A_260 = arith.constant 1 : i32
        %get3A_261 = arith.index_cast %get3A_260 : i32 to index
        %get3A_262 = arith.index_cast %scan3A_203 : i32 to index
        %get3A_263 = arith.constant 112 : index
        %get3A_264 = tpu.vector_load %arg6[%get3A_261, %get3A_262, %get3A_263] {strides = array<i32>} : memref<2x200x128xf32, #tpu.memory_space<vmem>>, vector<1x1x16xf32>,
        %get3A_265 = vector.shape_cast %get3A_264 : vector<1x1x16xf32> to vector<16xf32>
        %add3A_266 = arith.addf %scan3A_211, %get3A_265 : vector<16xf32>
        %scan3A_267 = arith.constant 1 : i32
        %scan3A_268 = arith.addi %scan3A_203, %scan3A_267 : i32
        %get3A_269 = arith.constant 1 : i32
        %get3A_270 = arith.index_cast %get3A_269 : i32 to index
        %get3A_271 = arith.index_cast %scan3A_268 : i32 to index
        %get3A_272 = arith.constant 0 : index
        %get3A_273 = tpu.vector_load %arg6[%get3A_270, %get3A_271, %get3A_272] {strides = array<i32>} : memref<2x200x128xf32, #tpu.memory_space<vmem>>, vector<1x1x16xf32>,
        %get3A_274 = vector.shape_cast %get3A_273 : vector<1x1x16xf32> to vector<16xf32>
        %add3A_275 = arith.addf %add3A_217, %get3A_274 : vector<16xf32>
        %get3A_276 = arith.constant 1 : i32
        %get3A_277 = arith.index_cast %get3A_276 : i32 to index
        %get3A_278 = arith.index_cast %scan3A_268 : i32 to index
        %get3A_279 = arith.constant 16 : index
        %get3A_280 = tpu.vector_load %arg6[%get3A_277, %get3A_278, %get3A_279] {strides = array<i32>} : memref<2x200x128xf32, #tpu.memory_space<vmem>>, vector<1x1x16xf32>,
        %get3A_281 = vector.shape_cast %get3A_280 : vector<1x1x16xf32> to vector<16xf32>
        %add3A_282 = arith.addf %add3A_224, %get3A_281 : vector<16xf32>
        %get3A_283 = arith.constant 1 : i32
        %get3A_284 = arith.index_cast %get3A_283 : i32 to index
        %get3A_285 = arith.index_cast %scan3A_268 : i32 to index
        %get3A_286 = arith.constant 32 : index
        %get3A_287 = tpu.vector_load %arg6[%get3A_284, %get3A_285, %get3A_286] {strides = array<i32>} : memref<2x200x128xf32, #tpu.memory_space<vmem>>, vector<1x1x16xf32>,
        %get3A_288 = vector.shape_cast %get3A_287 : vector<1x1x16xf32> to vector<16xf32>
        %add3A_289 = arith.addf %add3A_231, %get3A_288 : vector<16xf32>
        %get3A_290 = arith.constant 1 : i32
        %get3A_291 = arith.index_cast %get3A_290 : i32 to index
        %get3A_292 = arith.index_cast %scan3A_268 : i32 to index
        %get3A_293 = arith.constant 48 : index
        %get3A_294 = tpu.vector_load %arg6[%get3A_291, %get3A_292, %get3A_293] {strides = array<i32>} : memref<2x200x128xf32, #tpu.memory_space<vmem>>, vector<1x1x16xf32>,
        %get3A_295 = vector.shape_cast %get3A_294 : vector<1x1x16xf32> to vector<16xf32>
        %add3A_296 = arith.addf %add3A_238, %get3A_295 : vector<16xf32>
        %get3A_297 = arith.constant 1 : i32
        %get3A_298 = arith.index_cast %get3A_297 : i32 to index
        %get3A_299 = arith.index_cast %scan3A_268 : i32 to index
        %get3A_300 = arith.constant 64 : index
        %get3A_301 = tpu.vector_load %arg6[%get3A_298, %get3A_299, %get3A_300] {strides = array<i32>} : memref<2x200x128xf32, #tpu.memory_space<vmem>>, vector<1x1x16xf32>,
        %get3A_302 = vector.shape_cast %get3A_301 : vector<1x1x16xf32> to vector<16xf32>
        %add3A_303 = arith.addf %add3A_245, %get3A_302 : vector<16xf32>
        %get3A_304 = arith.constant 1 : i32
        %get3A_305 = arith.index_cast %get3A_304 : i32 to index
        %get3A_306 = arith.index_cast %scan3A_268 : i32 to index
        %get3A_307 = arith.constant 80 : index
        %get3A_308 = tpu.vector_load %arg6[%get3A_305, %get3A_306, %get3A_307] {strides = array<i32>} : memref<2x200x128xf32, #tpu.memory_space<vmem>>, vector<1x1x16xf32>,
        %get3A_309 = vector.shape_cast %get3A_308 : vector<1x1x16xf32> to vector<16xf32>
        %add3A_310 = arith.addf %add3A_252, %get3A_309 : vector<16xf32>
        %get3A_311 = arith.constant 1 : i32
        %get3A_312 = arith.index_cast %get3A_311 : i32 to index
        %get3A_313 = arith.index_cast %scan3A_268 : i32 to index
        %get3A_314 = arith.constant 96 : index
        %get3A_315 = tpu.vector_load %arg6[%get3A_312, %get3A_313, %get3A_314] {strides = array<i32>} : memref<2x200x128xf32, #tpu.memory_space<vmem>>, vector<1x1x16xf32>,
        %get3A_316 = vector.shape_cast %get3A_315 : vector<1x1x16xf32> to vector<16xf32>
        %add3A_317 = arith.addf %add3A_259, %get3A_316 : vector<16xf32>
        %get3A_318 = arith.constant 1 : i32
        %get3A_319 = arith.index_cast %get3A_318 : i32 to index
        %get3A_320 = arith.index_cast %scan3A_268 : i32 to index
        %get3A_321 = arith.constant 112 : index
        %get3A_322 = tpu.vector_load %arg6[%get3A_319, %get3A_320, %get3A_321] {strides = array<i32>} : memref<2x200x128xf32, #tpu.memory_space<vmem>>, vector<1x1x16xf32>,
        %get3A_323 = vector.shape_cast %get3A_322 : vector<1x1x16xf32> to vector<16xf32>
        %add3A_324 = arith.addf %add3A_266, %get3A_323 : vector<16xf32>
        %scan3A_325 = arith.constant 2 : i32
        %scan3A_326 = arith.addi %scan3A_203, %scan3A_325 : i32
        %get3A_327 = arith.constant 1 : i32
        %get3A_328 = arith.index_cast %get3A_327 : i32 to index
        %get3A_329 = arith.index_cast %scan3A_326 : i32 to index
        %get3A_330 = arith.constant 0 : index
        %get3A_331 = tpu.vector_load %arg6[%get3A_328, %get3A_329, %get3A_330] {strides = array<i32>} : memref<2x200x128xf32, #tpu.memory_space<vmem>>, vector<1x1x16xf32>,
        %get3A_332 = vector.shape_cast %get3A_331 : vector<1x1x16xf32> to vector<16xf32>
        %add3A_333 = arith.addf %add3A_275, %get3A_332 : vector<16xf32>
        %get3A_334 = arith.constant 1 : i32
        %get3A_335 = arith.index_cast %get3A_334 : i32 to index
        %get3A_336 = arith.index_cast %scan3A_326 : i32 to index
        %get3A_337 = arith.constant 16 : index
        %get3A_338 = tpu.vector_load %arg6[%get3A_335, %get3A_336, %get3A_337] {strides = array<i32>} : memref<2x200x128xf32, #tpu.memory_space<vmem>>, vector<1x1x16xf32>,
        %get3A_339 = vector.shape_cast %get3A_338 : vector<1x1x16xf32> to vector<16xf32>
        %add3A_340 = arith.addf %add3A_282, %get3A_339 : vector<16xf32>
        %get3A_341 = arith.constant 1 : i32
        %get3A_342 = arith.index_cast %get3A_341 : i32 to index
        %get3A_343 = arith.index_cast %scan3A_326 : i32 to index
        %get3A_344 = arith.constant 32 : index
        %get3A_345 = tpu.vector_load %arg6[%get3A_342, %get3A_343, %get3A_344] {strides = array<i32>} : memref<2x200x128xf32, #tpu.memory_space<vmem>>, vector<1x1x16xf32>,
        %get3A_346 = vector.shape_cast %get3A_345 : vector<1x1x16xf32> to vector<16xf32>
        %add3A_347 = arith.addf %add3A_289, %get3A_346 : vector<16xf32>
        %get3A_348 = arith.constant 1 : i32
        %get3A_349 = arith.index_cast %get3A_348 : i32 to index
        %get3A_350 = arith.index_cast %scan3A_326 : i32 to index
        %get3A_351 = arith.constant 48 : index
        %get3A_352 = tpu.vector_load %arg6[%get3A_349, %get3A_350, %get3A_351] {strides = array<i32>} : memref<2x200x128xf32, #tpu.memory_space<vmem>>, vector<1x1x16xf32>,
        %get3A_353 = vector.shape_cast %get3A_352 : vector<1x1x16xf32> to vector<16xf32>
        %add3A_354 = arith.addf %add3A_296, %get3A_353 : vector<16xf32>
        %get3A_355 = arith.constant 1 : i32
        %get3A_356 = arith.index_cast %get3A_355 : i32 to index
        %get3A_357 = arith.index_cast %scan3A_326 : i32 to index
        %get3A_358 = arith.constant 64 : index
        %get3A_359 = tpu.vector_load %arg6[%get3A_356, %get3A_357, %get3A_358] {strides = array<i32>} : memref<2x200x128xf32, #tpu.memory_space<vmem>>, vector<1x1x16xf32>,
        %get3A_360 = vector.shape_cast %get3A_359 : vector<1x1x16xf32> to vector<16xf32>
        %add3A_361 = arith.addf %add3A_303, %get3A_360 : vector<16xf32>
        %get3A_362 = arith.constant 1 : i32
        %get3A_363 = arith.index_cast %get3A_362 : i32 to index
        %get3A_364 = arith.index_cast %scan3A_326 : i32 to index
        %get3A_365 = arith.constant 80 : index
        %get3A_366 = tpu.vector_load %arg6[%get3A_363, %get3A_364, %get3A_365] {strides = array<i32>} : memref<2x200x128xf32, #tpu.memory_space<vmem>>, vector<1x1x16xf32>,
        %get3A_367 = vector.shape_cast %get3A_366 : vector<1x1x16xf32> to vector<16xf32>
        %add3A_368 = arith.addf %add3A_310, %get3A_367 : vector<16xf32>
        %get3A_369 = arith.constant 1 : i32
        %get3A_370 = arith.index_cast %get3A_369 : i32 to index
        %get3A_371 = arith.index_cast %scan3A_326 : i32 to index
        %get3A_372 = arith.constant 96 : index
        %get3A_373 = tpu.vector_load %arg6[%get3A_370, %get3A_371, %get3A_372] {strides = array<i32>} : memref<2x200x128xf32, #tpu.memory_space<vmem>>, vector<1x1x16xf32>,
        %get3A_374 = vector.shape_cast %get3A_373 : vector<1x1x16xf32> to vector<16xf32>
        %add3A_375 = arith.addf %add3A_317, %get3A_374 : vector<16xf32>
        %get3A_376 = arith.constant 1 : i32
        %get3A_377 = arith.index_cast %get3A_376 : i32 to index
        %get3A_378 = arith.index_cast %scan3A_326 : i32 to index
        %get3A_379 = arith.constant 112 : index
        %get3A_380 = tpu.vector_load %arg6[%get3A_377, %get3A_378, %get3A_379] {strides = array<i32>} : memref<2x200x128xf32, #tpu.memory_space<vmem>>, vector<1x1x16xf32>,
        %get3A_381 = vector.shape_cast %get3A_380 : vector<1x1x16xf32> to vector<16xf32>
        %add3A_382 = arith.addf %add3A_324, %get3A_381 : vector<16xf32>
        %scan3A_383 = arith.constant 3 : i32
        %scan3A_384 = arith.addi %scan3A_203, %scan3A_383 : i32
        %get3A_385 = arith.constant 1 : i32
        %get3A_386 = arith.index_cast %get3A_385 : i32 to index
        %get3A_387 = arith.index_cast %scan3A_384 : i32 to index
        %get3A_388 = arith.constant 0 : index
        %get3A_389 = tpu.vector_load %arg6[%get3A_386, %get3A_387, %get3A_388] {strides = array<i32>} : memref<2x200x128xf32, #tpu.memory_space<vmem>>, vector<1x1x16xf32>,
        %get3A_390 = vector.shape_cast %get3A_389 : vector<1x1x16xf32> to vector<16xf32>
        %add3A_391 = arith.addf %add3A_333, %get3A_390 : vector<16xf32>
        %get3A_392 = arith.constant 1 : i32
        %get3A_393 = arith.index_cast %get3A_392 : i32 to index
        %get3A_394 = arith.index_cast %scan3A_384 : i32 to index
        %get3A_395 = arith.constant 16 : index
        %get3A_396 = tpu.vector_load %arg6[%get3A_393, %get3A_394, %get3A_395] {strides = array<i32>} : memref<2x200x128xf32, #tpu.memory_space<vmem>>, vector<1x1x16xf32>,
        %get3A_397 = vector.shape_cast %get3A_396 : vector<1x1x16xf32> to vector<16xf32>
        %add3A_398 = arith.addf %add3A_340, %get3A_397 : vector<16xf32>
        %get3A_399 = arith.constant 1 : i32
        %get3A_400 = arith.index_cast %get3A_399 : i32 to index
        %get3A_401 = arith.index_cast %scan3A_384 : i32 to index
        %get3A_402 = arith.constant 32 : index
        %get3A_403 = tpu.vector_load %arg6[%get3A_400, %get3A_401, %get3A_402] {strides = array<i32>} : memref<2x200x128xf32, #tpu.memory_space<vmem>>, vector<1x1x16xf32>,
        %get3A_404 = vector.shape_cast %get3A_403 : vector<1x1x16xf32> to vector<16xf32>
        %add3A_405 = arith.addf %add3A_347, %get3A_404 : vector<16xf32>
        %get3A_406 = arith.constant 1 : i32
        %get3A_407 = arith.index_cast %get3A_406 : i32 to index
        %get3A_408 = arith.index_cast %scan3A_384 : i32 to index
        %get3A_409 = arith.constant 48 : index
        %get3A_410 = tpu.vector_load %arg6[%get3A_407, %get3A_408, %get3A_409] {strides = array<i32>} : memref<2x200x128xf32, #tpu.memory_space<vmem>>, vector<1x1x16xf32>,
        %get3A_411 = vector.shape_cast %get3A_410 : vector<1x1x16xf32> to vector<16xf32>
        %add3A_412 = arith.addf %add3A_354, %get3A_411 : vector<16xf32>
        %get3A_413 = arith.constant 1 : i32
        %get3A_414 = arith.index_cast %get3A_413 : i32 to index
        %get3A_415 = arith.index_cast %scan3A_384 : i32 to index
        %get3A_416 = arith.constant 64 : index
        %get3A_417 = tpu.vector_load %arg6[%get3A_414, %get3A_415, %get3A_416] {strides = array<i32>} : memref<2x200x128xf32, #tpu.memory_space<vmem>>, vector<1x1x16xf32>,
        %get3A_418 = vector.shape_cast %get3A_417 : vector<1x1x16xf32> to vector<16xf32>
        %add3A_419 = arith.addf %add3A_361, %get3A_418 : vector<16xf32>
        %get3A_420 = arith.constant 1 : i32
        %get3A_421 = arith.index_cast %get3A_420 : i32 to index
        %get3A_422 = arith.index_cast %scan3A_384 : i32 to index
        %get3A_423 = arith.constant 80 : index
        %get3A_424 = tpu.vector_load %arg6[%get3A_421, %get3A_422, %get3A_423] {strides = array<i32>} : memref<2x200x128xf32, #tpu.memory_space<vmem>>, vector<1x1x16xf32>,
        %get3A_425 = vector.shape_cast %get3A_424 : vector<1x1x16xf32> to vector<16xf32>
        %add3A_426 = arith.addf %add3A_368, %get3A_425 : vector<16xf32>
        %get3A_427 = arith.constant 1 : i32
        %get3A_428 = arith.index_cast %get3A_427 : i32 to index
        %get3A_429 = arith.index_cast %scan3A_384 : i32 to index
        %get3A_430 = arith.constant 96 : index
        %get3A_431 = tpu.vector_load %arg6[%get3A_428, %get3A_429, %get3A_430] {strides = array<i32>} : memref<2x200x128xf32, #tpu.memory_space<vmem>>, vector<1x1x16xf32>,
        %get3A_432 = vector.shape_cast %get3A_431 : vector<1x1x16xf32> to vector<16xf32>
        %add3A_433 = arith.addf %add3A_375, %get3A_432 : vector<16xf32>
        %get3A_434 = arith.constant 1 : i32
        %get3A_435 = arith.index_cast %get3A_434 : i32 to index
        %get3A_436 = arith.index_cast %scan3A_384 : i32 to index
        %get3A_437 = arith.constant 112 : index
        %get3A_438 = tpu.vector_load %arg6[%get3A_435, %get3A_436, %get3A_437] {strides = array<i32>} : memref<2x200x128xf32, #tpu.memory_space<vmem>>, vector<1x1x16xf32>,
        %get3A_439 = vector.shape_cast %get3A_438 : vector<1x1x16xf32> to vector<16xf32>
        %add3A_440 = arith.addf %add3A_382, %get3A_439 : vector<16xf32>
        scf.yield %add3A_391, %add3A_398, %add3A_405, %add3A_412, %add3A_419, %add3A_426, %add3A_433, %add3A_440 : vector<16xf32>, vector<16xf32>, vector<16xf32>, vector<16xf32>, vector<16xf32>, vector<16xf32>, vector<16xf32>, vector<16xf32>
      }
      %scan3A_161 = arith.constant 200 : i32
      %swap3A_162 = arith.index_cast %add3A_117 : i32 to index
      %swap3A_163 = arith.constant 0 : index
      %swap3A_164 = tpu.vector_load %arg7[%swap3A_162, %swap3A_163] {strides = array<i32>} : memref<128x128xf32, #tpu.memory_space<vmem>>, vector<1x16xf32>,
      %swap3A_165 = vector.shape_cast %swap3A_164 : vector<1x16xf32> to vector<16xf32>
      %swap3A_166 = vector.shape_cast %scan3A_160#0 : vector<16xf32> to vector<1x16xf32>
      tpu.vector_store %arg7[%swap3A_162, %swap3A_163], %swap3A_166 {strides = array<i32>} : memref<128x128xf32, #tpu.memory_space<vmem>>, vector<1x16xf32>,
      %swap3A_167 = arith.index_cast %add3A_117 : i32 to index
      %swap3A_168 = arith.constant 16 : index
      %swap3A_169 = tpu.vector_load %arg7[%swap3A_167, %swap3A_168] {strides = array<i32>} : memref<128x128xf32, #tpu.memory_space<vmem>>, vector<1x16xf32>,
      %swap3A_170 = vector.shape_cast %swap3A_169 : vector<1x16xf32> to vector<16xf32>
      %swap3A_171 = vector.shape_cast %scan3A_160#1 : vector<16xf32> to vector<1x16xf32>
      tpu.vector_store %arg7[%swap3A_167, %swap3A_168], %swap3A_171 {strides = array<i32>} : memref<128x128xf32, #tpu.memory_space<vmem>>, vector<1x16xf32>,
      %swap3A_172 = arith.index_cast %add3A_117 : i32 to index
      %swap3A_173 = arith.constant 32 : index
      %swap3A_174 = tpu.vector_load %arg7[%swap3A_172, %swap3A_173] {strides = array<i32>} : memref<128x128xf32, #tpu.memory_space<vmem>>, vector<1x16xf32>,
      %swap3A_175 = vector.shape_cast %swap3A_174 : vector<1x16xf32> to vector<16xf32>
      %swap3A_176 = vector.shape_cast %scan3A_160#2 : vector<16xf32> to vector<1x16xf32>
      tpu.vector_store %arg7[%swap3A_172, %swap3A_173], %swap3A_176 {strides = array<i32>} : memref<128x128xf32, #tpu.memory_space<vmem>>, vector<1x16xf32>,
      %swap3A_177 = arith.index_cast %add3A_117 : i32 to index
      %swap3A_178 = arith.constant 48 : index
      %swap3A_179 = tpu.vector_load %arg7[%swap3A_177, %swap3A_178] {strides = array<i32>} : memref<128x128xf32, #tpu.memory_space<vmem>>, vector<1x16xf32>,
      %swap3A_180 = vector.shape_cast %swap3A_179 : vector<1x16xf32> to vector<16xf32>
      %swap3A_181 = vector.shape_cast %scan3A_160#3 : vector<16xf32> to vector<1x16xf32>
      tpu.vector_store %arg7[%swap3A_177, %swap3A_178], %swap3A_181 {strides = array<i32>} : memref<128x128xf32, #tpu.memory_space<vmem>>, vector<1x16xf32>,
      %swap3A_182 = arith.index_cast %add3A_117 : i32 to index
      %swap3A_183 = arith.constant 64 : index
      %swap3A_184 = tpu.vector_load %arg7[%swap3A_182, %swap3A_183] {strides = array<i32>} : memref<128x128xf32, #tpu.memory_space<vmem>>, vector<1x16xf32>,
      %swap3A_185 = vector.shape_cast %swap3A_184 : vector<1x16xf32> to vector<16xf32>
      %swap3A_186 = vector.shape_cast %scan3A_160#4 : vector<16xf32> to vector<1x16xf32>
      tpu.vector_store %arg7[%swap3A_182, %swap3A_183], %swap3A_186 {strides = array<i32>} : memref<128x128xf32, #tpu.memory_space<vmem>>, vector<1x16xf32>,
      %swap3A_187 = arith.index_cast %add3A_117 : i32 to index
      %swap3A_188 = arith.constant 80 : index
      %swap3A_189 = tpu.vector_load %arg7[%swap3A_187, %swap3A_188] {strides = array<i32>} : memref<128x128xf32, #tpu.memory_space<vmem>>, vector<1x16xf32>,
      %swap3A_190 = vector.shape_cast %swap3A_189 : vector<1x16xf32> to vector<16xf32>
      %swap3A_191 = vector.shape_cast %scan3A_160#5 : vector<16xf32> to vector<1x16xf32>
      tpu.vector_store %arg7[%swap3A_187, %swap3A_188], %swap3A_191 {strides = array<i32>} : memref<128x128xf32, #tpu.memory_space<vmem>>, vector<1x16xf32>,
      %swap3A_192 = arith.index_cast %add3A_117 : i32 to index
      %swap3A_193 = arith.constant 96 : index
      %swap3A_194 = tpu.vector_load %arg7[%swap3A_192, %swap3A_193] {strides = array<i32>} : memref<128x128xf32, #tpu.memory_space<vmem>>, vector<1x16xf32>,
      %swap3A_195 = vector.shape_cast %swap3A_194 : vector<1x16xf32> to vector<16xf32>
      %swap3A_196 = vector.shape_cast %scan3A_160#6 : vector<16xf32> to vector<1x16xf32>
      tpu.vector_store %arg7[%swap3A_192, %swap3A_193], %swap3A_196 {strides = array<i32>} : memref<128x128xf32, #tpu.memory_space<vmem>>, vector<1x16xf32>,
      %swap3A_197 = arith.index_cast %add3A_117 : i32 to index
      %swap3A_198 = arith.constant 112 : index
      %swap3A_199 = tpu.vector_load %arg7[%swap3A_197, %swap3A_198] {strides = array<i32>} : memref<128x128xf32, #tpu.memory_space<vmem>>, vector<1x16xf32>,
      %swap3A_200 = vector.shape_cast %swap3A_199 : vector<1x16xf32> to vector<16xf32>
      %swap3A_201 = vector.shape_cast %scan3A_160#7 : vector<16xf32> to vector<1x16xf32>
      tpu.vector_store %arg7[%swap3A_197, %swap3A_198], %swap3A_201 {strides = array<i32>} : memref<128x128xf32, #tpu.memory_space<vmem>>, vector<1x16xf32>,
      %scan3A_202 = arith.constant 0 : i32
      scf.yield %scan3A_202 : i32
    }
    %scan3A_29 = arith.constant 64 : i32
    "tpu.region"() ({
      %run_scoped3A = tpu.sem_alloc : memref<!tpu.dma_semaphore, #tpu.memory_space<semaphore_mem>>
      %dma_start3A_30 = arith.constant 0 : i32
      %dma_start3A_31 = tpu.memref_slice %arg4[%mul3A_2, %dma_start3A_30] : memref<4096x128xf32, #tpu.memory_space<hbm>> -> memref<128x128xf32, #tpu.memory_space<hbm>>
      %dma_start3A_32 = arith.constant 0 : i32
      %dma_start3A_33 = tpu.memref_slice %arg4[%mul3A_2, %dma_start3A_32] : memref<4096x128xf32, #tpu.memory_space<hbm>> -> memref<128x128xf32, #tpu.memory_space<hbm>>
      tpu.enqueue_dma source(%arg7 : memref<128x128xf32, #tpu.memory_space<vmem>>) target(%dma_start3A_33 : memref<128x128xf32, #tpu.memory_space<hbm>>) target_semaphore(%run_scoped3A : memref<!tpu.dma_semaphore, #tpu.memory_space<semaphore_mem>>)
      %dma_wait3A = arith.constant 0 : i32
      %dma_wait3A_34 = tpu.memref_slice %arg4[%mul3A_2, %dma_wait3A] : memref<4096x128xf32, #tpu.memory_space<hbm>> -> memref<128x128xf32, #tpu.memory_space<hbm>>
      %dma_wait3A_35 = arith.constant 0 : i32
      %dma_wait3A_36 = tpu.memref_slice %arg4[%mul3A_2, %dma_wait3A_35] : memref<4096x128xf32, #tpu.memory_space<hbm>> -> memref<128x128xf32, #tpu.memory_space<hbm>>
      tpu.wait_dma2 semaphore(%run_scoped3A : memref<!tpu.dma_semaphore, #tpu.memory_space<semaphore_mem>>) src(%arg7 : memref<128x128xf32, #tpu.memory_space<vmem>>) dst(%dma_wait3A_36 : memref<128x128xf32, #tpu.memory_space<hbm>>)
      tpu.yield
    }) : () -> ()
    return
  }
}

module attributes {stable_mosaic.version = 14 : i64} {
  func.func @_fc_softmax_body(%arg0: i32, %arg1: memref<2048x128xf32, #tpu.memory_space<vmem>>, %arg2: memref<128x128xf32, #tpu.memory_space<vmem>>, %arg3: memref<1x128xf32, #tpu.memory_space<vmem>>, %arg4: memref<2048x128xf32, #tpu.memory_space<vmem>>) attributes {dimension_semantics = [#tpu.dimension_semantics<arbitrary>], iteration_bounds = array<i64: 2>, scalar_prefetch = 0 : i64, scratch_operands = 0 : i64, tpu.core_type = #tpu.core_type<tc>, window_params = [{transform_indices = @transform_0, window_bounds = array<i64: 2048, 128>}, {pipeline_mode = #tpu.pipeline_mode<synchronous>, transform_indices = @transform_1, window_bounds = array<i64: 128, 128>}, {pipeline_mode = #tpu.pipeline_mode<synchronous>, transform_indices = @transform_2, window_bounds = array<i64: 1, 128>}, {transform_indices = @transform_3, window_bounds = array<i64: 2048, 128>}]} {
    %get3A = arith.constant 0 : index
    %get3A_0 = arith.constant 0 : index
    %get3A_1 = vector.load %arg1[%get3A, %get3A_0] : memref<2048x128xf32, #tpu.memory_space<vmem>>, vector<2048x128xf32>
    %get3A_2 = arith.constant 0 : index
    %get3A_3 = arith.constant 0 : index
    %get3A_4 = vector.load %arg2[%get3A_2, %get3A_3] : memref<128x128xf32, #tpu.memory_space<vmem>>, vector<128x128xf32>
    %dot_general3A = arith.constant dense<0.000000e+00> : vector<2048x128xf32>
    %dot_general3A_5 = tpu.matmul %get3A_1, %get3A_4, %dot_general3A {dimension_numbers = #tpu.dot_dimension_numbers<[1], [1], [0], [0], [0, 0, 1, 0], [], []>, transpose_lhs_hint = false} : vector<2048x128xf32>, vector<128x128xf32>, vector<2048x128xf32> -> vector<2048x128xf32>
    %mul3A = arith.constant 5.000000e-03 : f32
    %mul3A_6 = vector.broadcast %mul3A : f32 to vector<2048x128xf32>
    %mul3A_7 = arith.mulf %dot_general3A_5, %mul3A_6 : vector<2048x128xf32>
    %get3A_8 = arith.constant 0 : index
    %get3A_9 = arith.constant 0 : index
    %get3A_10 = vector.load %arg3[%get3A_8, %get3A_9] : memref<1x128xf32, #tpu.memory_space<vmem>>, vector<1x128xf32>
    %add3A = vector.broadcast %get3A_10 : vector<1x128xf32> to vector<2048x128xf32>
    %add3A_11 = arith.addf %mul3A_7, %add3A : vector<2048x128xf32>
    %reduce_max3A = arith.constant dense<0xFF800000> : vector<2048xf32>
    %reduce_max3A_12 = vector.multi_reduction <maximumf>, %add3A_11, %reduce_max3A [1] : vector<2048x128xf32> to vector<2048xf32>
    %broadcast_in_dim3A = vector.shape_cast %reduce_max3A_12 : vector<2048xf32> to vector<2048x1xf32>
    %sub3A = vector.broadcast %broadcast_in_dim3A : vector<2048x1xf32> to vector<2048x128xf32>
    %sub3A_13 = arith.subf %add3A_11, %sub3A : vector<2048x128xf32>
    %exp3A = math.exp %sub3A_13 : vector<2048x128xf32>
    %reduce_sum3A = arith.constant dense<0.000000e+00> : vector<2048xf32>
    %reduce_sum3A_14 = vector.multi_reduction <add>, %exp3A, %reduce_sum3A [1] : vector<2048x128xf32> to vector<2048xf32>
    %broadcast_in_dim3A_15 = vector.shape_cast %reduce_sum3A_14 : vector<2048xf32> to vector<2048x1xf32>
    %div3A = vector.broadcast %broadcast_in_dim3A_15 : vector<2048x1xf32> to vector<2048x128xf32>
    %div3A_16 = arith.divf %exp3A, %div3A : vector<2048x128xf32>
    %swap3A = arith.constant 0 : index
    %swap3A_17 = arith.constant 0 : index
    %swap3A_18 = vector.load %arg4[%swap3A, %swap3A_17] : memref<2048x128xf32, #tpu.memory_space<vmem>>, vector<2048x128xf32>
    tpu.vector_store %arg4[%swap3A, %swap3A_17], %div3A_16 {strides = array<i32>} : memref<2048x128xf32, #tpu.memory_space<vmem>>, vector<2048x128xf32>,
    return
  }
  func.func @transform_0(%arg0: i32) -> (i32, i32) {
    %c0_i32 = arith.constant 0 : i32
    %c0_i32_0 = arith.constant 0 : i32
    return %arg0, %c0_i32 : i32, i32
  }
  func.func @transform_1(%arg0: i32) -> (i32, i32) {
    %c0_i32 = arith.constant 0 : i32
    %c0_i32_0 = arith.constant 0 : i32
    %c0_i32_1 = arith.constant 0 : i32
    return %c0_i32, %c0_i32_0 : i32, i32
  }
  func.func @transform_2(%arg0: i32) -> (i32, i32) {
    %c0_i32 = arith.constant 0 : i32
    %c0_i32_0 = arith.constant 0 : i32
    %c0_i32_1 = arith.constant 0 : i32
    return %c0_i32, %c0_i32_0 : i32, i32
  }
  func.func @transform_3(%arg0: i32) -> (i32, i32) {
    %c0_i32 = arith.constant 0 : i32
    %c0_i32_0 = arith.constant 0 : i32
    return %arg0, %c0_i32 : i32, i32
  }
}

</mosaic_0001>

<sc_bundles>
// kernel: kernel.4.cloned.1.call-start
scs
__scs_entry_jumppad:
0x0: {  	(pc) =	sbr.rel $0x88, $3  }
0x1: {  	(tag) =	ssettag $0x0;
	lr =	simm.s32 $0x1  }
0x2: {  	[smem:$0x3F9D] =	sst lr;
	_ =	strace $0xD0000000  }
0x3: {  	_ = 	snop  }
0x4: {  	_ = 	snop  }
0x5: {  	_ = 	snop  }
0x6: {  	_ = 	snop  }
0x7: {  	_ = 	snop  }
__scs_overlays_trampoline_lowered:
0x8: {  	[smem:$0x3FAC] =	sst s0  }
0x9: {  	[smem:$0x3FAD] =	sst s1  }
0xa: {  	[smem:$0x3FAE] =	sst s2  }
0xb: {  	[smem:$0x3FAF] =	sst s3  }
0xc: {  	[smem:$0x3FB0] =	sst s4  }
0xd: {  	[smem:$0x3FB1] =	sst s5  }
0xe: {  	[smem:$0x3FB2] =	sst s6  }
0xf: {  	[smem:$0x3FB3] =	sst s7  }
0x10: {  	[smem:$0x3FB4] =	sst s8  }
0x11: {  	[smem:$0x3FB5] =	sst s9;
	s0 =	simm.s32 @!p0 $0x0  }
0x12: {  	s1 =	sld [smem:$0x3F9B];
	s0 =	simm.s32 @p0 $0x1  }
0x13: {  	[smem:$0x3FB6] =	sst s0;
	s0 =	simm.s32 @!p1 $0x0  }
0x14: {  	s2 =	sld [smem:$0x3F9A];
	s0 =	simm.s32 @p1 $0x1  }
0x15: {  	[smem:$0x3FB7] =	sst s0;
	s0 =	simm.s32 @!p2 $0x0  }
0x16: {  	s3 =	sld [smem:$0x3FDB];
	s0 =	simm.s32 @p2 $0x1  }
0x17: {  	s4 =	simm.s32 $0x1BF5;
	[smem:$0x3FB9] =	sst s0  }
0x18: {  	s0 =	sld [smem:$0x3F9C];
	_ =	swait.ge [sflag:s4], $0x0  }
0x19: {  	s7 =	sld [smem:$0x3F9D]  }
0x1a: {  	s8 =	sadd.s32 $0xFFFFE003, lr  }
0x1b: {  	s9 =	sadd.s32 $0xFFFFFEF7, lr;
	s5 =	simm.s32 $0xFFFFFFFF;
	p2 =	slt.u32 s8, $0xFFFFF086  }
0x1c: {  	p1 =	slt.u32 s9, $0xF7A;
	s5 =	simm.s32 @!p2 $0x0  }
0x1d: {  	s5 =	simm.s32 @p1 $0x1;
	p0 =	seq.s32 s7, s2  }
0x1e: {  	s7 =	smul.u32 @!p0 $0xF7A, s2;
	p2 =	seq.s32 @!p0 s5, $0x0  }
0x1f: {  	s9 =	smul.u32 $0xF7A, s1;
	s8 =	simm.s32 @!p0 $0x1BF5;
	p2 =	por !p2, p0  }
0x20: {  	[sflag:s8] =	ssyncset.s32 @!p0 $0xFFFFF086;
	s6 =	sadd.s32 @!p0 s3, s7;
	s7 =	simm.s32 @!p0 $0x108  }
0x21: {  	s3 =	sadd.s32 s3, s9;
	s6 =	sadd.s32 @!p0 $0x88, s6;
	s7 =	simm.s32 @p2 $0x1082  }
0x22: {  	[simem:s7], [sflag:s8] =	dma.local @!p0 [hbm:s6], $0xF7A  }
0x23: {  	s9 =	sor.u32 $0xD0000000, s2;
	s6 =	simm.s32 $0x108;
	_ =	swait.ge @!p0 [sflag:s8], $0x0  }
0x24: {  	s3 =	sadd.s32 $0x88, s3;
	s6 =	simm.s32 @!p1 $0x1082;
	[sflag:s4] =	ssyncset.s32 $0xFFFFF086  }
0x25: {  	[simem:s6], [sflag:s4] =	dma.local [hbm:s3], $0xF7A  }
0x26: {  	[smem:$0x3F9D] =	sst s1;
	(tag) =	ssettag s2;
	_ =	strace s9  }
0x27: {  	s1 =	sld [smem:$0x3FAD]  }
0x28: {  	s2 =	sld [smem:$0x3FAE]  }
0x29: {  	s4 =	sld [smem:$0x3FB0]  }
0x2a: {  	p0 =	seq.s32 s5, $0x0;
	s5 =	sld [smem:$0x3FB1]  }
0x2b: {  	s6 =	sld [smem:$0x3FB2]  }
0x2c: {  	s7 =	sld [smem:$0x3FB3]  }
0x2d: {  	s3 =	simm.s32 $0x108;
	s8 =	sld [smem:$0x3FB4]  }
0x2e: {  	s3 =	simm.s32 @!p0 $0x1082;
	s9 =	sld [smem:$0x3FB5]  }
0x2f: {  	lr =	sadd.s32 s0, s3;
	s0 =	sld [smem:$0x3FAC]  }
0x30: {  	s3 =	sld [smem:$0x3FAF]  }
0x31: {  	[smem:$0x3FB8] =	sst s10  }
0x32: {  	s10 =	sld [smem:$0x3FB6];
	_ =	sdelay $0x3  }
0x33: {  	p0 =	seq.s32 s10, $0x1;
	s10 =	sld [smem:$0x3FB8];
	_ =	sdelay $0x3  }
0x34: {  	[smem:$0x3FB8] =	sst s10  }
0x35: {  	s10 =	sld [smem:$0x3FB7];
	_ =	sdelay $0x3  }
0x36: {  	p1 =	seq.s32 s10, $0x1;
	s10 =	sld [smem:$0x3FB8];
	_ =	sdelay $0x3  }
0x37: {  	[smem:$0x3FB8] =	sst s10  }
0x38: {  	s10 =	sld [smem:$0x3FB9]  }
0x39: {  	_ = 	snop;
	(pc) =	sbr.ind lr, $3  }
0x3a: {  	_ = 	snop  }
0x3b: {  	_ = 	snop  }
0x3c: {  	p2 =	seq.s32 s10, $0x1;
	s10 =	sld [smem:$0x3FB8]  }
0x3d: {  	_ =	shalt  }
0x3e: {  	_ =	shalt  }
0x3f: {  	_ =	shalt  }
0x40: {  	_ =	shalt  }
0x41: {  	_ =	shalt  }
0x42: {  	_ =	shalt  }
0x43: {  	_ =	shalt  }
0x44: {  	_ =	shalt  }
0x45: {  	_ =	shalt  }
0x46: {  	_ =	shalt  }
0x47: {  	_ =	shalt  }
0x48: {  	_ =	shalt  }
0x49: {  	_ =	shalt  }
0x4a: {  	_ =	shalt  }
0x4b: {  	_ =	shalt  }
0x4c: {  	_ =	shalt  }
0x4d: {  	_ =	shalt  }
0x4e: {  	_ =	shalt  }
0x4f: {  	_ =	shalt  }
0x50: {  	_ =	shalt  }
0x51: {  	_ =	shalt  }
0x52: {  	_ =	shalt  }
0x53: {  	_ =	shalt  }
0x54: {  	_ =	shalt  }
0x55: {  	_ =	shalt  }
0x56: {  	_ =	shalt  }
0x57: {  	_ =	shalt  }
0x58: {  	_ =	shalt  }
0x59: {  	_ =	shalt  }
0x5a: {  	_ =	shalt  }
0x5b: {  	_ =	shalt  }
0x5c: {  	_ =	shalt  }
0x5d: {  	_ =	shalt  }
0x5e: {  	_ =	shalt  }
0x5f: {  	_ =	shalt  }
0x60: {  	_ =	shalt  }
0x61: {  	_ =	shalt  }
0x62: {  	_ =	shalt  }
0x63: {  	_ =	shalt  }
0x64: {  	_ =	shalt  }
0x65: {  	_ =	shalt  }
0x66: {  	_ =	shalt  }
0x67: {  	_ =	shalt  }
0x68: {  	_ =	shalt  }
0x69: {  	_ =	shalt  }
0x6a: {  	_ =	shalt  }
0x6b: {  	_ =	shalt  }
0x6c: {  	_ =	shalt  }
0x6d: {  	_ =	shalt  }
0x6e: {  	_ =	shalt  }
0x6f: {  	_ =	shalt  }
0x70: {  	_ =	shalt  }
0x71: {  	_ =	shalt  }
0x72: {  	_ =	shalt  }
0x73: {  	_ =	shalt  }
0x74: {  	_ =	shalt  }
0x75: {  	_ =	shalt  }
0x76: {  	_ =	shalt  }
0x77: {  	_ =	shalt  }
0x78: {  	_ =	shalt  }
0x79: {  	_ =	shalt  }
0x7a: {  	_ =	shalt  }
0x7b: {  	_ =	shalt  }
0x7c: {  	_ =	shalt  }
0x7d: {  	_ =	shalt  }
0x7e: {  	_ =	shalt  }
0x7f: {  	_ =	shalt  }
0x80: {  	_ =	shalt  }
0x81: {  	_ =	shalt  }
0x82: {  	_ =	shalt  }
0x83: {  	_ =	shalt  }
0x84: {  	_ =	shalt  }
0x85: {  	_ =	shalt  }
0x86: {  	_ =	shalt  }
0x87: {  	_ =	shalt  }
.Lfunc_end0:
.L_simem_size_0:
called_computation_lowered:
.L_overlay_start_0:
0x88: {  	s2 =	sld [smem:$0x3FD9]  }
0x89: {  	s3 =	sld [smem:$0x3FFE];
	_ =	sdelay $0x1  }
0x8a: {  	s1 =	srdreg.scid  }
0x8b: {  	s0 =	sand.u32 $0x1, s1  }
0x8c: {  	s17 =	sshll.u32 s0, $0xA;
	s2 =	sadd.s32 s3, s2  }
0x8d: {  	s2 =	sadd.s32 s2, s17  }
0x8e: {  	[smem:$0x3FC4] =	sst s2  }
0x8f: {  	_ = 	snop  }
0x90: {  	s2 =	sld [smem:$0x3FC8]  }
0x91: {  	s18 =	sld [smem:$0x3FD0];
	(tm) =	ssettm $0x1  }
0x92: {  	s4 =	sld [smem:$0x3FFB];
	_ =	sdelay $0x3  }
0x93: {  	_ =	strace s4  }
0x94: {  	s4 =	sld [smem:$0x3FFC];
	_ =	sdelay $0x3  }
0x95: {  	_ =	strace s4  }
0x96: {  	s4 =	sld [smem:$0x3FFD];
	_ =	sdelay $0x3  }
0x97: {  	_ =	strace s4  }
0x98: {  	_ =	strace $0x8FFFFFFF  }
0x99: {  	s19 =	sld [smem:$0x3FDB];
	_ =	sdelay $0x1  }
0x9a: {  	s5 =	simm.s32 $_scs_section_size  }
0x9b: {  	s6 =	simm.s32 $_size__tile_overlayer_lowered;
	s7 =	simm.s32 $_tile_overlayer_lowered  }
0x9c: {  	s22 =	simm.s32 $0x1BFF;
	s21 =	sshll.u32 s7, $0x1;
	s4 =	sadd.s32 s5, s19  }
0x9d: {  	s8 =	simm.s32 $0x0;
	s20 =	sshll.u32 s6, $0x1;
	s6 =	sadd.s32 s21, s4  }
0x9e: {  	[timem:s8], [sflag:s22] =	dma.local [hbm:s6], s20  }
0x9f: {  	_ =	swait.ge [sflag:s22], s20  }
0xa0: {  	s5 =	ssub.s32 $0x0, s20;
	[sflag:s22] =	ssyncset.done $0x0  }
0xa1: {  	[sflag:s22] =	ssyncadd.s32 s5;
	_ =	sdelay $0x1  }
0xa2: {  	s23 =	simm.s32 $0x1B8B  }
0xa3: {  	_ =	swait.ge [sflag:s23], $0x1  }
0xa4: {  	[sflag:s23] =	ssyncset.done $0x0  }
0xa5: {  	s25 =	simm.s32 $0x1B8E;
	s24 =	sld [smem:$0x3FFE];
	[sflag:s23] =	ssyncadd.s32 $0xFFFFFFFF  }
0xa6: {  	s26 =	simm.s32 $execute0_lowered;
	[smem:$0x3FD2] =	sst s25  }
0xa7: {  	s6 =	sshll.u32 s26, $0x1;
	_ =	strace $0x80000046;
	[dreg:$0x1] =	wrdreg $0xFFFFFFFF  }
0xa8: {  	s28 =	simm.s32 $_size_execute0_lowered;
	s4 =	sadd.s32 s4, s6;
	[dreg:$0x0] =	wrdreg $0x0  }
0xa9: {  	s6 =	sshll.u32 s28, $0x1;
	[dreg:$0x2] =	wrdreg s4  }
0xaa: {  	[dreg:$0x3] =	wrdreg s6  }
0xab: {  	[dreg:$0x4] =	wrdreg $0xC0  }
0xac: {  	_ =	task [dreg:s8], $0x5FFFF  }
0xad: {  	[dreg:$0x1] =	wrdreg $0xFFFFFFFF  }
0xae: {  	[dreg:$0x0] =	wrdreg $0x60  }
0xaf: {  	[dreg:$0x2] =	wrdreg s24  }
0xb0: {  	[dreg:$0x3] =	wrdreg s2  }
0xb1: {  	[dreg:$0x4] =	wrdreg s18  }
0xb2: {  	[dreg:$0x5] =	wrdreg $0x9  }
0xb3: {  	_ =	task.clear_ibuf [dreg:s8], $0x6FFFF;
	_ =	strace $0x90000046  }
0xb4: {  	s29 =	simm.s32 $0x9;
	_ =	strace $0x80000048  }
0xb5: {  	_ =	swait.ge [sflag:s29], $0x1  }
0xb6: {  	[sflag:s29] =	ssyncadd.s32 $0xFFFFFFFF  }
0xb7: {  	_ =	strace $0x90000048  }
0xb8: {  	_ =	sfence  }
0xb9: {  	s30 =	sld [smem:$0x0];
	_ =	sdelay $0x2  }
0xba: {  	s31 =	sshll.u32 s1, $0xD;
	s1 =	sshrl.u32 s1, $0x2  }
0xbb: {  	s3 =	sand.u32 $0x4000, s31;
	s1 =	sadd.s32 s1, s30  }
0xbc: {  	s0 =	sor.u32 s3, s0;
	s1 =	sshll.u32 s1, $0x11  }
0xbd: {  	s0 =	sor.u32 s1, s0  }
0xbe: {  	s0 =	sadd.s32 $0x8F2B, s0  }
0xbf: {  	[sflag:s0] =	ssyncadd.remote.s32 $0x1  }
0xc0: {  	_ =	sfence.sel $0xFFFF  }
0xc1: {  	[dreg:$0x0] =	wrdreg $0xFFFFFFFF;
	(pc) =	sbr.abs _section_cstart, $3  }
0xc2: {  	[dreg:$0x1] =	wrdreg $0xFFFFFFFF  }
0xc3: {  	_ =	task.clear_ibuf [dreg:s8], $0x2FFFF;
	_ =	strace $0x9FFFFFFF  }
0xc4: {  	(tm) =	ssettm $0x7FFFFFFF  }
0xc5: {  	_ =	shalt  }
tec
execute0_lowered:
.L_overlay_start_1:
0x0: {  	(tag) =	ssettag $0x1  }
0x1: {  	s4 =	rddreg [dreg:$0x0]  }
0x2: {  	s2 =	rddreg [dreg:$0x1];
	s1 =	srdreg.scid  }
0x3: {  	s0 =	stileid.u32;
	s5 =	rddreg [dreg:$0x2]  }
0x4: {  	s3 =	simm.s32 $0x0;
	s9 =	simm.s32 $0x6400;
	s10 =	simm.s32 $0x48  }
0x5: {  	s11 =	simm.s32 $0xA400;
	s12 =	simm.s32 $0xC800;
	s13 =	simm.s32 $0x10800  }
0x6: {  	s14 =	simm.s32 $0x1;
	s15 =	simm.s32 $0x2;
	s16 =	simm.s32 $0x12C00  }
0x7: {  	s17 =	simm.s32 $0x0;
	s6 =	sand.u32 $0x1, s1;
	s7 =	sshll.u32 s0, $0x1  }
0x8: {  	s1 =	rddreg [dreg:$0x3];
	s7 =	sor.u32 s6, s7;
	s6 =	ssub.s32 $0x2, s6  }
0x9: {  	[smem:$0x7FF] =	sst s3;
	s8 =	smul.u32 $0xC80, s7;
	s31 =	sshrl.u32 s6, $0x1  }
0xa: {  	_ =	strace $0x80000047;
	s7 =	sshll.u32 s7, $0xB;
	s6 =	ssub.s32 s6, s31  }
0xb: {  	s5 =	sadd.s32 s5, s7;
	s7 =	simm.s32 $0x3;
	s4 =	sadd.s32 s8, s4  }
0xc: {  	s6 =	smax.u32 s6, $0x1;
	s8 =	simm.s32 $0x80;
	s4 =	sadd.s32 $0xA00, s4  }
.LBB2_1:
0xd: {  	[tilespmem:s3], [sflag:$0x3] =	stream.linear.gather [hbm4b:s4+s3], $0x6400, $0x38;
	[tilespmem:$0x16C00] =	vst v63  }
0xe: {  	_ =	swait.ge [sflag:s7], $0x6400  }
0xf: {  	[sflag:s7] =	ssyncset.done $0x0  }
0x10: {  	[sflag:s7] =	ssyncadd.s32 $0xFFFF9C00  }
0x11: {  	[tilespmem:s9], [sflag:$0x1] =	stream.indirect.gather [hbm4b:s2+s8], $0x80, s3, s8, $0xb8;
	[tilespmem:$0x16C00] =	vst v63  }
0x12: {  	s18 =	simm.s32 $0x0  }
0x13: {  	[tilespmem:s11], [sflag:$0x1] =	stream.indirect.gather [hbm4b:s2+s10], $0x80, s8, s10, $0xb8;
	[tilespmem:$0x16C00] =	vst v63  }
.LBB2_2:
0x14: {  	s19 =	sshllo.u32 s18, $0x1  }
0x15: {  	s20 =	smul.u32 $0x320, s19;
	_ =	sdelay $0x1  }
0x16: {  	s20 =	sshra.s32 s20, $0x2  }
0x17: {  	[tilespmem:s12], [sflag:$0x2] =	stream.indirect.gather [hbm4b:s2+s8], $0x80, s20, s8, $0xb8;
	[tilespmem:$0x16C00] =	vst v63  }
0x18: {  	s20 =	sadd.s32 $0x80, s20  }
0x19: {  	[tilespmem:s13], [sflag:$0x2] =	stream.indirect.gather [hbm4b:s2+s10], $0x80, s20, s10, $0xb8;
	[tilespmem:$0x16C00] =	vst v63  }
0x1a: {  	_ =	swait.ge [sflag:s14], $0x6400  }
0x1b: {  	[sflag:s14] =	ssyncset.done $0x0  }
0x1c: {  	s21 =	simm.s32 $0x6500;
	[sflag:s14] =	ssyncadd.s32 $0xFFFF9C00  }
0x1d: {  	v4 =	vld [tilespmem:s21+$0x80]  }
0x1e: {  	v5 =	vld [tilespmem:s21+$0x90]  }
0x1f: {  	v11 =	vld [tilespmem:s21+$0xA0]  }
0x20: {  	v12 =	vld [tilespmem:s21+$0xB0]  }
0x21: {  	v0 =	vld [tilespmem:s21+$0xC0]  }
0x22: {  	v1 =	vld [tilespmem:s21+$0xD0]  }
0x23: {  	v6 =	vld [tilespmem:s21+$0x0]  }
0x24: {  	v7 =	vld [tilespmem:s21+$0x10]  }
0x25: {  	v9 =	vld [tilespmem:s21+$0x20]  }
0x26: {  	v10 =	vld [tilespmem:s21+$0x30]  }
0x27: {  	v3 =	vld [tilespmem:s21+$0x40]  }
0x28: {  	v2 =	vld [tilespmem:s21+$0x50]  }
0x29: {  	v8 =	vld [tilespmem:s21+$0xFFFFFF80]  }
0x2a: {  	v13 =	vld [tilespmem:s21+$0xFFFFFF90]  }
0x2b: {  	v14 =	vld [tilespmem:s21+$0xFFFFFF00]  }
0x2c: {  	v15 =	vld [tilespmem:s21+$0xFFFFFF10]  }
0x2d: {  	v16 =	vld [tilespmem:s21+$0xFFFFFF20]  }
0x2e: {  	v17 =	vld [tilespmem:s21+$0xFFFFFF30]  }
0x2f: {  	v18 =	vld [tilespmem:s21+$0xFFFFFFA0]  }
0x30: {  	v19 =	vld [tilespmem:s21+$0xFFFFFFB0]  }
0x31: {  	v20 =	vimm.f32 $0.0e+00;
	v21 =	vld [tilespmem:s21+$0xFFFFFFC0]  }
0x32: {  	v22 =	vld [tilespmem:s21+$0xFFFFFFD0];
	v14 =	vadd.f32 v14, v20;
	v15 =	vadd.f32 v15, v20  }
0x33: {  	v23 =	vld [tilespmem:s21+$0xFFFFFF40];
	v16 =	vadd.f32 v16, v20;
	v17 =	vadd.f32 v17, v20  }
0x34: {  	v24 =	vld [tilespmem:s21+$0xFFFFFF50];
	v8 =	vadd.f32 v8, v14;
	v13 =	vadd.f32 v13, v15  }
0x35: {  	v14 =	vld [tilespmem:s21+$0xFFFFFF60];
	v15 =	vadd.f32 v18, v16;
	v16 =	vadd.f32 v19, v17  }
0x36: {  	v17 =	vld [tilespmem:s21+$0xFFFFFF70];
	v6 =	vadd.f32 v6, v8;
	v13 =	vadd.f32 v7, v13  }
0x37: {  	v8 =	vld [tilespmem:s21+$0xFFFFFFE0];
	v15 =	vadd.f32 v9, v15;
	v16 =	vadd.f32 v10, v16  }
0x38: {  	v10 =	vld [tilespmem:s21+$0xFFFFFFF0];
	v7 =	vadd.f32 v4, v6;
	v6 =	vadd.f32 v5, v13  }
0x39: {  	v9 =	vld [tilespmem:s21+$0x60];
	v5 =	vadd.f32 v11, v15;
	v4 =	vadd.f32 v12, v16  }
0x3a: {  	v13 =	vadd.f32 v23, v20;
	v16 =	vadd.f32 v24, v20;
	v12 =	vld [tilespmem:s21+$0x70]  }
0x3b: {  	v11 =	vld [tilespmem:s21+$0xE0];
	v15 =	vadd.f32 v14, v20;
	v14 =	vadd.f32 v17, v20  }
0x3c: {  	s20 =	simm.s32 $0x0;
	v17 =	vadd.f32 v21, v13;
	v16 =	vadd.f32 v22, v16;
	v13 =	vld [tilespmem:s21+$0xF0];
	s21 =	simm.s32 $0x6700  }
.LBB2_3:
0x3d: {  	v18 =	vld [tilespmem:s21+$0x80];
	v8 =	vadd.f32 v8, v15;
	v10 =	vadd.f32 v10, v14  }
0x3e: {  	v14 =	vld [tilespmem:s21+$0x90];
	v3 =	vadd.f32 v3, v17;
	v2 =	vadd.f32 v2, v16  }
0x3f: {  	v15 =	vld [tilespmem:s21+$0xA0];
	v8 =	vadd.f32 v9, v8;
	v9 =	vadd.f32 v12, v10  }
0x40: {  	v12 =	vld [tilespmem:s21+$0xB0];
	v16 =	vadd.f32 v0, v3;
	v17 =	vadd.f32 v1, v2  }
0x41: {  	v0 =	vld [tilespmem:s21+$0xC0];
	v11 =	vadd.f32 v11, v8;
	v13 =	vadd.f32 v13, v9  }
0x42: {  	v1 =	vld [tilespmem:s21+$0xD0]  }
0x43: {  	v8 =	vld [tilespmem:s21+$0x0]  }
0x44: {  	v9 =	vld [tilespmem:s21+$0x10]  }
0x45: {  	v10 =	vld [tilespmem:s21+$0x20]  }
0x46: {  	v19 =	vld [tilespmem:s21+$0x30]  }
0x47: {  	v3 =	vld [tilespmem:s21+$0x40]  }
0x48: {  	v2 =	vld [tilespmem:s21+$0x50]  }
0x49: {  	v20 =	vld [tilespmem:s21+$0xFFFFFF80]  }
0x4a: {  	v21 =	vld [tilespmem:s21+$0xFFFFFF90]  }
0x4b: {  	v22 =	vld [tilespmem:s21+$0xFFFFFF00]  }
0x4c: {  	v23 =	vld [tilespmem:s21+$0xFFFFFF10]  }
0x4d: {  	v24 =	vld [tilespmem:s21+$0xFFFFFF20]  }
0x4e: {  	v25 =	vld [tilespmem:s21+$0xFFFFFF30]  }
0x4f: {  	v26 =	vld [tilespmem:s21+$0xFFFFFFA0]  }
0x50: {  	v27 =	vld [tilespmem:s21+$0xFFFFFFB0]  }
0x51: {  	v28 =	vld [tilespmem:s21+$0xFFFFFFC0]  }
0x52: {  	v7 =	vadd.f32 v22, v7;
	v6 =	vadd.f32 v23, v6;
	v22 =	vld [tilespmem:s21+$0xFFFFFFD0]  }
0x53: {  	v5 =	vadd.f32 v24, v5;
	v4 =	vadd.f32 v25, v4;
	v23 =	vld [tilespmem:s21+$0xFFFFFF40]  }
0x54: {  	v7 =	vadd.f32 v20, v7;
	v6 =	vadd.f32 v21, v6;
	v24 =	vld [tilespmem:s21+$0xFFFFFF50]  }
0x55: {  	v5 =	vadd.f32 v26, v5;
	v20 =	vld [tilespmem:s21+$0xFFFFFF60];
	v4 =	vadd.f32 v27, v4  }
0x56: {  	s20 =	sadd.s32 $0x4, s20;
	v7 =	vadd.f32 v8, v7;
	v6 =	vadd.f32 v9, v6;
	v21 =	vld [tilespmem:s21+$0xFFFFFF70]  }
0x57: {  	p0 =	slt.u32 s20, $0xC4;
	v5 =	vadd.f32 v10, v5;
	v8 =	vld [tilespmem:s21+$0xFFFFFFE0];
	v4 =	vadd.f32 v19, v4  }
.Ltmp0:
0x58: {  	v7 =	vadd.f32 v18, v7;
	v6 =	vadd.f32 v14, v6;
	v10 =	vld [tilespmem:s21+$0xFFFFFFF0];
	(pc) =	sbr.rel @p0 .LBB2_3-.Ltmp0, $4  }
0x59: {  	v5 =	vadd.f32 v15, v5;
	v9 =	vld [tilespmem:s21+$0x60];
	v4 =	vadd.f32 v12, v4  }
0x5a: {  	v16 =	vadd.f32 v23, v16;
	v18 =	vadd.f32 v24, v17;
	v12 =	vld [tilespmem:s21+$0x70]  }
0x5b: {  	v15 =	vadd.f32 v20, v11;
	v14 =	vadd.f32 v21, v13;
	v11 =	vld [tilespmem:s21+$0xE0]  }
0x5c: {  	v17 =	vadd.f32 v28, v16;
	v16 =	vadd.f32 v22, v18;
	v13 =	vld [tilespmem:s21+$0xF0];
	s21 =	sadd.s32 $0x200, s21  }
0x5d: {  	s20 =	sshll.u32 s18, $0x8  }
0x5e: {  	s20 =	sand.u32 $0x3FFFFF00, s20  }
0x5f: {  	v8 =	vadd.f32 v8, v15;
	v3 =	vadd.f32 v3, v17;
	[tilespmem:s20+$0x12C00] =	vst v7  }
0x60: {  	v2 =	vadd.f32 v2, v16;
	v7 =	vadd.f32 v10, v14;
	[tilespmem:s20+$0x12C10] =	vst v6  }
0x61: {  	v6 =	vadd.f32 v9, v8;
	[tilespmem:s20+$0x12C20] =	vst v5;
	v0 =	vadd.f32 v0, v3  }
0x62: {  	p0 =	seq.s32 s18, $0x3F;
	[tilespmem:s20+$0x12C30] =	vst v4;
	v1 =	vadd.f32 v1, v2;
	v3 =	vadd.f32 v12, v7  }
0x63: {  	s21 =	smul.u32 @!p0 $0x640, s18;
	v2 =	vadd.f32 v11, v6;
	[tilespmem:s20+$0x12C40] =	vst v0  }
0x64: {  	[tilespmem:s20+$0x12C50] =	vst v1;
	v0 =	vadd.f32 v13, v3  }
0x65: {  	s21 =	sshra.s32 @!p0 s21, $0x2;
	[tilespmem:s20+$0x12C60] =	vst v2  }
0x66: {  	s22 =	simm.s32 @!p0 $0x80;
	s23 =	simm.s32 @!p0 $0x6400;
	[tilespmem:s20+$0x12C70] =	vst v0;
	s20 =	sadd.s32 @!p0 $0x190, s21  }
0x67: {  	[tilespmem:s23], [sflag:$0x1] =	stream.indirect.gather @!p0 [hbm4b:s2+s22], $0x80, s20, s22, $0xb8;
	[tilespmem:$0x16C00] =	vst v63  }
0x68: {  	s20 =	sadd.s32 @!p0 $0x210, s21;
	s21 =	simm.s32 @!p0 $0x48;
	s22 =	simm.s32 @!p0 $0xA400  }
0x69: {  	[tilespmem:s22], [sflag:$0x1] =	stream.indirect.gather @!p0 [hbm4b:s2+s21], $0x80, s20, s21, $0xb8;
	[tilespmem:$0x16C00] =	vst v63  }
0x6a: {  	_ =	swait.ge [sflag:s15], $0x6400  }
0x6b: {  	[sflag:s15] =	ssyncset.done $0x0  }
0x6c: {  	s31 =	simm.s32 $0xC800;
	[sflag:s15] =	ssyncadd.s32 $0xFFFF9C00  }
0x6d: {  	v4 =	vld [tilespmem:s31+$0x180]  }
0x6e: {  	v5 =	vld [tilespmem:s31+$0x190]  }
0x6f: {  	v11 =	vld [tilespmem:s31+$0x1A0]  }
0x70: {  	v12 =	vld [tilespmem:s31+$0x1B0]  }
0x71: {  	v0 =	vld [tilespmem:s31+$0x1C0]  }
0x72: {  	v1 =	vld [tilespmem:s31+$0x1D0]  }
0x73: {  	v6 =	vld [tilespmem:s31+$0x100]  }
0x74: {  	v7 =	vld [tilespmem:s31+$0x110]  }
0x75: {  	v9 =	vld [tilespmem:s31+$0x120]  }
0x76: {  	v10 =	vld [tilespmem:s31+$0x130]  }
0x77: {  	v3 =	vld [tilespmem:s31+$0x140]  }
0x78: {  	v2 =	vld [tilespmem:s31+$0x150]  }
0x79: {  	v8 =	vld [tilespmem:s31+$0x80]  }
0x7a: {  	v13 =	vld [tilespmem:s31+$0x90]  }
0x7b: {  	v14 =	vld [tilespmem:s31+$0x0]  }
0x7c: {  	v15 =	vld [tilespmem:s31+$0x10]  }
0x7d: {  	v16 =	vld [tilespmem:s31+$0x20]  }
0x7e: {  	v17 =	vld [tilespmem:s31+$0x30]  }
0x7f: {  	v18 =	vld [tilespmem:s31+$0xA0]  }
0x80: {  	v19 =	vld [tilespmem:s31+$0xB0]  }
0x81: {  	v20 =	vimm.f32 $0.0e+00;
	v21 =	vld [tilespmem:s31+$0xC0]  }
0x82: {  	v22 =	vld [tilespmem:s31+$0xD0];
	v14 =	vadd.f32 v14, v20;
	v15 =	vadd.f32 v15, v20  }
0x83: {  	v23 =	vld [tilespmem:s31+$0x40];
	v16 =	vadd.f32 v16, v20;
	v17 =	vadd.f32 v17, v20  }
0x84: {  	v24 =	vld [tilespmem:s31+$0x50];
	v8 =	vadd.f32 v8, v14;
	v13 =	vadd.f32 v13, v15  }
0x85: {  	v14 =	vld [tilespmem:s31+$0x60];
	v15 =	vadd.f32 v18, v16;
	v16 =	vadd.f32 v19, v17  }
0x86: {  	v17 =	vld [tilespmem:s31+$0x70];
	v6 =	vadd.f32 v6, v8;
	v13 =	vadd.f32 v7, v13  }
0x87: {  	v8 =	vld [tilespmem:s31+$0xE0];
	v15 =	vadd.f32 v9, v15;
	v16 =	vadd.f32 v10, v16  }
0x88: {  	v10 =	vld [tilespmem:s31+$0xF0];
	v7 =	vadd.f32 v4, v6;
	v6 =	vadd.f32 v5, v13  }
0x89: {  	v9 =	vld [tilespmem:s31+$0x160];
	v5 =	vadd.f32 v11, v15;
	v4 =	vadd.f32 v12, v16  }
0x8a: {  	v13 =	vadd.f32 v23, v20;
	v16 =	vadd.f32 v24, v20;
	v12 =	vld [tilespmem:s31+$0x170]  }
0x8b: {  	v11 =	vld [tilespmem:s31+$0x1E0];
	v15 =	vadd.f32 v14, v20;
	v14 =	vadd.f32 v17, v20  }
0x8c: {  	s20 =	simm.s32 $0x0;
	s21 =	simm.s32 $0xCA00;
	v17 =	vadd.f32 v21, v13;
	v16 =	vadd.f32 v22, v16;
	v13 =	vld [tilespmem:s31+$0x1F0]  }
.LBB2_5:
0x8d: {  	v18 =	vld [tilespmem:s21+$0x180];
	v8 =	vadd.f32 v8, v15;
	v10 =	vadd.f32 v10, v14  }
0x8e: {  	v14 =	vld [tilespmem:s21+$0x190];
	v3 =	vadd.f32 v3, v17;
	v2 =	vadd.f32 v2, v16  }
0x8f: {  	v15 =	vld [tilespmem:s21+$0x1A0];
	v8 =	vadd.f32 v9, v8;
	v9 =	vadd.f32 v12, v10  }
0x90: {  	v12 =	vld [tilespmem:s21+$0x1B0];
	v16 =	vadd.f32 v0, v3;
	v17 =	vadd.f32 v1, v2  }
0x91: {  	v0 =	vld [tilespmem:s21+$0x1C0];
	v11 =	vadd.f32 v11, v8;
	v13 =	vadd.f32 v13, v9  }
0x92: {  	v1 =	vld [tilespmem:s21+$0x1D0]  }
0x93: {  	v8 =	vld [tilespmem:s21+$0x100]  }
0x94: {  	v9 =	vld [tilespmem:s21+$0x110]  }
0x95: {  	v10 =	vld [tilespmem:s21+$0x120]  }
0x96: {  	v19 =	vld [tilespmem:s21+$0x130]  }
0x97: {  	v3 =	vld [tilespmem:s21+$0x140]  }
0x98: {  	v2 =	vld [tilespmem:s21+$0x150]  }
0x99: {  	v20 =	vld [tilespmem:s21+$0x80]  }
0x9a: {  	v21 =	vld [tilespmem:s21+$0x90]  }
0x9b: {  	v22 =	vld [tilespmem:s21+$0x0]  }
0x9c: {  	v23 =	vld [tilespmem:s21+$0x10]  }
0x9d: {  	v24 =	vld [tilespmem:s21+$0x20]  }
0x9e: {  	v25 =	vld [tilespmem:s21+$0x30]  }
0x9f: {  	v26 =	vld [tilespmem:s21+$0xA0]  }
0xa0: {  	v27 =	vld [tilespmem:s21+$0xB0]  }
0xa1: {  	v28 =	vld [tilespmem:s21+$0xC0]  }
0xa2: {  	v7 =	vadd.f32 v22, v7;
	v6 =	vadd.f32 v23, v6;
	v22 =	vld [tilespmem:s21+$0xD0]  }
0xa3: {  	v5 =	vadd.f32 v24, v5;
	v4 =	vadd.f32 v25, v4;
	v23 =	vld [tilespmem:s21+$0x40]  }
0xa4: {  	v7 =	vadd.f32 v20, v7;
	v6 =	vadd.f32 v21, v6;
	v24 =	vld [tilespmem:s21+$0x50]  }
0xa5: {  	v5 =	vadd.f32 v26, v5;
	v20 =	vld [tilespmem:s21+$0x60];
	v4 =	vadd.f32 v27, v4  }
0xa6: {  	s20 =	sadd.s32 $0x4, s20;
	v7 =	vadd.f32 v8, v7;
	v6 =	vadd.f32 v9, v6;
	v21 =	vld [tilespmem:s21+$0x70]  }
0xa7: {  	p0 =	slt.u32 s20, $0xC4;
	v5 =	vadd.f32 v10, v5;
	v8 =	vld [tilespmem:s21+$0xE0];
	v4 =	vadd.f32 v19, v4  }
.Ltmp1:
0xa8: {  	v7 =	vadd.f32 v18, v7;
	v6 =	vadd.f32 v14, v6;
	v10 =	vld [tilespmem:s21+$0xF0];
	(pc) =	sbr.rel @p0 .LBB2_5-.Ltmp1, $4  }
0xa9: {  	v5 =	vadd.f32 v15, v5;
	v9 =	vld [tilespmem:s21+$0x160];
	v4 =	vadd.f32 v12, v4  }
0xaa: {  	v16 =	vadd.f32 v23, v16;
	v18 =	vadd.f32 v24, v17;
	v12 =	vld [tilespmem:s21+$0x170]  }
0xab: {  	v15 =	vadd.f32 v20, v11;
	v14 =	vadd.f32 v21, v13;
	v11 =	vld [tilespmem:s21+$0x1E0]  }
0xac: {  	v17 =	vadd.f32 v28, v16;
	v16 =	vadd.f32 v22, v18;
	v13 =	vld [tilespmem:s21+$0x1F0];
	s21 =	sadd.s32 $0x200, s21  }
0xad: {  	s19 =	sshll.u32 s19, $0x7  }
0xae: {  	s19 =	sand.u32 $0x3FFFFF80, s19  }
0xaf: {  	v8 =	vadd.f32 v8, v15;
	v3 =	vadd.f32 v3, v17;
	[tilespmem:s19+$0x12C00] =	vst v7  }
0xb0: {  	v59 =	vadd.f32 v10, v14;
	s18 =	sadd.s32 $0x1, s18;
	v2 =	vadd.f32 v2, v16;
	[tilespmem:s19+$0x12C10] =	vst v6  }
0xb1: {  	p0 =	sne.s32 s18, $0x40;
	v60 =	vadd.f32 v9, v8;
	[tilespmem:s19+$0x12C20] =	vst v5;
	v0 =	vadd.f32 v0, v3  }
.Ltmp2:
0xb2: {  	v61 =	vadd.f32 v12, v59;
	[tilespmem:s19+$0x12C30] =	vst v4;
	v1 =	vadd.f32 v1, v2;
	(pc) =	sbr.rel @p0 .LBB2_2-.Ltmp2, $4  }
0xb3: {  	v62 =	vadd.f32 v11, v60;
	[tilespmem:s19+$0x12C40] =	vst v0  }
0xb4: {  	v63 =	vadd.f32 v13, v61;
	[tilespmem:s19+$0x12C50] =	vst v1  }
0xb5: {  	[tilespmem:s19+$0x12C60] =	vst v62  }
0xb6: {  	[tilespmem:s19+$0x12C70] =	vst v63  }
0xb7: {  	s17 =	sadd.s32 $0x1, s17  }
0xb8: {  	p0 =	sne.s32 s17, s6  }
.Ltmp3:
0xb9: {  	_ = 	snop;
	(pc) =	sbr.rel @p0 .LBB2_1-.Ltmp3, $4  }
0xba: {  	[hbm4b:s5+s3] =	stream.linear.scatter [tilespmem:s16], [sflag:$0x3], $0x4000, $0x38;
	[tilespmem:$0x16C00] =	vst v63  }
0xbb: {  	_ =	swait.ge [sflag:s7], $0x4000  }
0xbc: {  	[sflag:s7] =	ssyncset.done $0x0  }
0xbd: {  	[sflag:s7] =	ssyncadd.s32 $0xFFFFC000  }
0xbe: {  	_ =	sfence.sel $0x180000  }
0xbf: {  	[bflag:$0x0] =	sbarrier.arrive $0xFFFF  }
0xc0: {  	p0 =	sne.s32 s0, $0x0;
	_ =	strace $0x90000047  }
0xc1: {  	s0 =	sadd.s32 @!p0 $0x100000, s1;
	[bflag:$0x2] =	sbarrier.arrive $0xFFFF  }
0xc2: {  	[sflag:s0] =	ssyncadd.tile.s32 @!p0 $0x1;
	_ =	shalt  }
.Lfunc_end2:
_tile_overlayer_lowered:
.L_overlay_start_2:
0xc3: {  	(tag) =	ssettag $0x2  }
0xc4: {  	s0 =	rddreg [dreg:$0x0];
	s2 =	stileid.u32  }
0xc5: {  	s1 =	rddreg [dreg:$0x1];
	p0 =	sne.s32 s2, $0x0  }
0xc6: {  	s3 =	rddreg [dreg:$0x2];
	[bflag:$0x3] =	sbarrier.arrive $0xFFFF;
	s2 =	simm.s32 @!p0 $0x1C03  }
0xc7: {  	[timem:s3], [sflag:s2] =	dma.local @!p0 [hbm:s0], s1  }
0xc8: {  	s0 =	simm.s32 @!p0 $0x3  }
0xc9: {  	_ =	swait.ge @!p0 [sflag:s0], s1  }
0xca: {  	s1 =	ssub.s32 @!p0 $0x0, s1;
	[sflag:s0] =	ssyncset.done @!p0 $0x0  }
0xcb: {  	[sflag:s0] =	ssyncadd.s32 @!p0 s1  }
0xcc: {  	[bflag:$0x3] =	sbarrier.arrive $0xFFFF  }
0xcd: {  	_ =	shalt  }

</sc_bundles>
